<compile_context>
chip_gen: v7x
topology: tpu7x:2x2x1
jax: 0.10.2.dev20260603
libtpu: 0.0.44.dev20260713+nightly
codegen_flags: <defaults>
</compile_context>

<pallas_src>
import functools

import jax
import jax.numpy as jnp
from jax import lax
from jax.experimental import pallas as pl
from jax.experimental.pallas import tpu as pltpu
from jax.experimental.pallas import tpu_sc as plsc

VOCAB = 100000
T = 36
EMB = 128
UNITS = 128
DENSE = 192
B = 1024

VT = 2048
NV = (VOCAB + VT - 1) // VT
VPAD = NV * VT



_SC_NC = 2
_SC_NS = 16
_SC_NW = _SC_NC * _SC_NS
_GB = T * B // _SC_NW
_GCH = 384
_GNCH = _GB // _GCH


def _sc_gather_kernel(table_hbm, idx_hbm, out_hbm, idx_v, rows0, rows1,
                      sem0, sem1):
    wid = lax.axis_index("s") * _SC_NC + lax.axis_index("c")
    base = wid * _GB
    pltpu.sync_copy(idx_hbm.at[pl.ds(base, _GB)], idx_v)
    bufs = (rows0, rows1)
    sems = (sem0, sem1)
    copies = [None] * _GNCH
    copies[0] = pltpu.async_copy(
        table_hbm.at[idx_v.at[pl.ds(0, _GCH)]], bufs[0], sems[0])
    for c in range(_GNCH):
        if c + 1 < _GNCH:
            copies[c + 1] = pltpu.async_copy(
                table_hbm.at[idx_v.at[pl.ds((c + 1) * _GCH, _GCH)]],
                bufs[(c + 1) % 2], sems[(c + 1) % 2])
        copies[c].wait()
        pltpu.sync_copy(bufs[c % 2],
                        out_hbm.at[pl.ds(base + c * _GCH, _GCH)])


def _sc_gather(emb_table, flat_idx):
    k = functools.partial(
        pl.kernel,
        out_type=jax.ShapeDtypeStruct((T * B, EMB), jnp.float32),
        mesh=plsc.VectorSubcoreMesh(core_axis_name="c", subcore_axis_name="s"),
        scratch_types=[
            pltpu.VMEM((_GB,), jnp.int32),
            pltpu.VMEM((_GCH, EMB), jnp.float32),
            pltpu.VMEM((_GCH, EMB), jnp.float32),
            pltpu.SemaphoreType.DMA,
            pltpu.SemaphoreType.DMA,
        ],
    )(_sc_gather_kernel)
    return k(emb_table, flat_idx)



_TSTEP = 4


def _lstm_step_kernel(xf_ref, xb_ref, Wfk_ref, Wfr_ref, bf_ref,
                      Wbk_ref, Wbr_ref, bb_ref, Wd_ref, bd_ref,
                      d_out_ref, hf_ref, cf_ref, hb_ref, cb_ref):
    t = pl.program_id(0)

    @pl.when(t == 0)
    def _init():
        hf_ref[...] = jnp.zeros_like(hf_ref)
        cf_ref[...] = jnp.zeros_like(cf_ref)
        hb_ref[...] = jnp.zeros_like(hb_ref)
        cb_ref[...] = jnp.zeros_like(cb_ref)

    def step(x16, h_ref, c_ref, Wk_ref, Wr_ref, b_ref):
        h16 = h_ref[...].astype(jnp.bfloat16)
        z = (jnp.dot(x16, Wk_ref[...], preferred_element_type=jnp.float32)
             + jnp.dot(h16, Wr_ref[...], preferred_element_type=jnp.float32)
             + b_ref[...])
        i = jax.nn.sigmoid(z[:, 0 * UNITS:1 * UNITS])
        f = jax.nn.sigmoid(z[:, 1 * UNITS:2 * UNITS])
        g = jnp.tanh(z[:, 2 * UNITS:3 * UNITS])
        o = jax.nn.sigmoid(z[:, 3 * UNITS:4 * UNITS])
        c_new = f * c_ref[...] + i * g
        h_new = o * jnp.tanh(c_new)
        h_ref[...] = h_new
        c_ref[...] = c_new
        return h_new

    for u in range(_TSTEP):
        hf = step(xf_ref[u].astype(jnp.bfloat16), hf_ref, cf_ref,
                  Wfk_ref, Wfr_ref, bf_ref)
        hb = step(xb_ref[_TSTEP - 1 - u].astype(jnp.bfloat16), hb_ref, cb_ref,
                  Wbk_ref, Wbr_ref, bb_ref)

    @pl.when(t == T // _TSTEP - 1)
    def _emit():
        d_pre = (jnp.dot(hf.astype(jnp.bfloat16), Wd_ref[0:UNITS, :],
                         preferred_element_type=jnp.float32)
                 + jnp.dot(hb.astype(jnp.bfloat16), Wd_ref[UNITS:2 * UNITS, :],
                           preferred_element_type=jnp.float32)
                 + bd_ref[...])
        d = jnp.where(d_pre > 0, d_pre, 0.1 * d_pre)
        d_out_ref[...] = d.astype(jnp.bfloat16)


def _run_lstm(x_tm, Wf_k, Wf_r, bf, Wb_k, Wb_r, bb, Wd, bd):
    full = lambda shape: pl.BlockSpec(shape, lambda t: tuple(0 for _ in shape))
    return pl.pallas_call(
        _lstm_step_kernel,
        grid=(T // _TSTEP,),
        in_specs=[
            pl.BlockSpec((_TSTEP, B, EMB), lambda t: (t, 0, 0)),
            pl.BlockSpec((_TSTEP, B, EMB),
                         lambda t: (T // _TSTEP - 1 - t, 0, 0)),
            full((EMB, 4 * UNITS)),
            full((UNITS, 4 * UNITS)),
            full((1, 4 * UNITS)),
            full((EMB, 4 * UNITS)),
            full((UNITS, 4 * UNITS)),
            full((1, 4 * UNITS)),
            full((2 * UNITS, DENSE)),
            full((1, DENSE)),
        ],
        out_specs=pl.BlockSpec((B, DENSE), lambda t: (0, 0)),
        out_shape=jax.ShapeDtypeStruct((B, DENSE), jnp.bfloat16),
        scratch_shapes=[
            pltpu.VMEM((B, UNITS), jnp.float32),
            pltpu.VMEM((B, UNITS), jnp.float32),
            pltpu.VMEM((B, UNITS), jnp.float32),
            pltpu.VMEM((B, UNITS), jnp.float32),
        ],
    )(x_tm, x_tm, Wf_k, Wf_r, bf, Wb_k, Wb_r, bb, Wd, bd)



def _logits_tile(wo_ref, bo_ref, ones_ref, dT_ref):
    w16 = wo_ref[...].astype(jnp.bfloat16)
    tn = (((0,), (0,)), ((), ()))
    l = jax.lax.dot_general(w16, dT_ref[...], dimension_numbers=tn,
                            preferred_element_type=jnp.float32)
    b = jax.lax.dot_general(bo_ref[...].astype(jnp.bfloat16), ones_ref[...],
                            dimension_numbers=tn,
                            preferred_element_type=jnp.float32)
    return l + b


def _head_pass1_kernel(wo_ref, bo_ref, ones_ref, dT_ref, m_out_ref, s_out_ref,
                       m_ref, s_ref):
    j = pl.program_id(0)
    l = _logits_tile(wo_ref, bo_ref, ones_ref, dT_ref)
    row = jax.lax.broadcasted_iota(jnp.int32, (VT, 1), 0)
    l = jnp.where(row < VOCAB - j * VT, l, -1e30)
    m_tile = jnp.max(l, axis=0, keepdims=True)

    def _sumexp(x, m):
        return jnp.sum(jnp.exp(x - m), axis=0, keepdims=True)

    @pl.when(j == 0)
    def _first():
        m_ref[...] = m_tile
        s_ref[...] = _sumexp(l, m_tile)

    @pl.when(j > 0)
    def _rest():
        m_old = m_ref[...]
        m_new = jnp.maximum(m_old, m_tile)
        s_ref[...] = (s_ref[...] * jnp.exp(m_old - m_new)
                      + _sumexp(l, m_new))
        m_ref[...] = m_new

    @pl.when(j == NV - 1)
    def _emit():
        m_out_ref[...] = m_ref[...]
        s_out_ref[...] = 1.0 / s_ref[...]


def _head_pass2_kernel(wo_ref, bo_ref, ones_ref, dT_ref, m_ref, sinv_ref,
                       out_ref):
    l = _logits_tile(wo_ref, bo_ref, ones_ref, dT_ref)
    out_ref[...] = jnp.exp(l - m_ref[...]) * sinv_ref[...]


def _run_head(dT, Wo, bo_row):
    wt_spec = pl.BlockSpec((DENSE, VT), lambda j: (0, j))
    bo_spec = pl.BlockSpec((1, VT), lambda j: (0, j))
    dT_spec = pl.BlockSpec((DENSE, B), lambda j: (0, 0))
    row_spec = pl.BlockSpec((1, B), lambda j: (0, 0))
    ones_row = jnp.ones((1, B), jnp.bfloat16)

    m, sinv = pl.pallas_call(
        _head_pass1_kernel,
        grid=(NV,),
        in_specs=[wt_spec, bo_spec, row_spec, dT_spec],
        out_specs=[row_spec, row_spec],
        out_shape=[jax.ShapeDtypeStruct((1, B), jnp.float32),
                   jax.ShapeDtypeStruct((1, B), jnp.float32)],
        scratch_shapes=[pltpu.VMEM((1, B), jnp.float32),
                        pltpu.VMEM((1, B), jnp.float32)],
    )(Wo, bo_row, ones_row, dT)

    out_t = pl.pallas_call(
        _head_pass2_kernel,
        grid=(NV,),
        in_specs=[wt_spec, bo_spec, row_spec, dT_spec, row_spec, row_spec],
        out_specs=pl.BlockSpec((VT, B), lambda j: (j, 0)),
        out_shape=jax.ShapeDtypeStruct((VOCAB, B), jnp.float32),
    )(Wo, bo_row, ones_row, dT, m, sinv)
    return out_t



def kernel(inputs, training, emb_table, Wf_k, Wf_r, bf, Wb_k, Wb_r, bb,
           Wd, bd, Wo, bo):
    del training
    flat_idx = inputs.T.reshape(-1)
    x_tm = _sc_gather(emb_table, flat_idx).reshape(T, B, EMB)

    b16 = lambda w: w.astype(jnp.bfloat16)
    d = _run_lstm(x_tm, b16(Wf_k), b16(Wf_r), bf.reshape(1, -1),
                  b16(Wb_k), b16(Wb_r), bb.reshape(1, -1),
                  b16(Wd), bd.reshape(1, -1))
    dT = d.T

    out_t = _run_head(dT, Wo, bo.reshape(1, -1))
    return out_t.T

# --- scband reference (transcript-rebuilt; emitter-appended) ---
"""Pipeline reference for scband-mini-chat-gptmodel-55533927137409 (READ-ONLY COPY).

The authoritative reference and input builder live on the scoring server;
editing this copy changes nothing except your own understanding.
"""

import jax, jax.numpy as jnp
import numpy as np

VOCAB = 100000
T = 36
EMB = 128
UNITS = 128
DENSE = 192
B = 1024


def _lstm(x_seq, Wk, Wr, b):
    # x_seq: [B, T, D]; Keras LSTM gate order i, f, c(g), o
    bsz = x_seq.shape[0]
    units = Wr.shape[0]

    def step(carry, x_t):
        h, c = carry
        z = x_t @ Wk + h @ Wr + b
        i, f, g, o = jnp.split(z, 4, axis=-1)
        i = jax.nn.sigmoid(i)
        f = jax.nn.sigmoid(f)
        g = jnp.tanh(g)
        o = jax.nn.sigmoid(o)
        c_new = f * c + i * g
        h_new = o * jnp.tanh(c_new)
        return (h_new, c_new), None

    init = (jnp.zeros((bsz, units), x_seq.dtype), jnp.zeros((bsz, units), x_seq.dtype))
    (h_last, _), _ = jax.lax.scan(step, init, jnp.swapaxes(x_seq, 0, 1))
    return h_last


def setup_inputs(seed: int = 0) -> dict:
    key = jax.random.key(seed)
    ks = jax.random.split(key, 12)
    inp = {}
    inp["inputs"] = jax.random.randint(ks[0], (B, T), 0, VOCAB, dtype=jnp.int64 if jax.config.jax_enable_x64 else jnp.int32)
    inp["training"] = 0
    s = 0.02
    inp["emb_table"] = jax.random.normal(ks[1], (VOCAB, EMB), jnp.float32) * s
    inp["Wf_k"] = jax.random.normal(ks[2], (EMB, 4 * UNITS), jnp.float32) * s
    inp["Wf_r"] = jax.random.normal(ks[3], (UNITS, 4 * UNITS), jnp.float32) * s
    inp["bf"] = jnp.zeros((4 * UNITS,), jnp.float32)
    inp["Wb_k"] = jax.random.normal(ks[4], (EMB, 4 * UNITS), jnp.float32) * s
    inp["Wb_r"] = jax.random.normal(ks[5], (UNITS, 4 * UNITS), jnp.float32) * s
    inp["bb"] = jnp.zeros((4 * UNITS,), jnp.float32)
    inp["Wd"] = jax.random.normal(ks[6], (2 * UNITS, DENSE), jnp.float32) * s
    inp["bd"] = jnp.zeros((DENSE,), jnp.float32)
    inp["Wo"] = jax.random.normal(ks[7], (DENSE, VOCAB), jnp.float32) * s
    inp["bo"] = jnp.zeros((VOCAB,), jnp.float32)
    return inp


def reference(inputs, training, emb_table, Wf_k, Wf_r, bf, Wb_k, Wb_r, bb, Wd, bd, Wo, bo):
    # token embedding gather
    x = jnp.take(emb_table, inputs, axis=0)  # [B, T, EMB]
    # dropout is identity when training is falsy (inference)
    h_fwd = _lstm(x, Wf_k, Wf_r, bf)
    h_bwd = _lstm(x[:, ::-1, :], Wb_k, Wb_r, bb)
    h = jnp.concatenate([h_fwd, h_bwd], axis=-1)  # [B, 2*UNITS]
    d = jax.nn.leaky_relu(h @ Wd + bd, negative_slope=0.1)
    logits = d @ Wo + bo
    out = jax.nn.softmax(logits, axis=-1)
    return out

if __name__ == "__main__":
    import jax
    _d = setup_inputs()
    print(jax.jit(kernel)(*tuple(_d.values())))

</pallas_src>

<mosaic_0001>
#map = affine_map<(d0, d1) -> (0, 0)>
#map1 = affine_map<(d0, d1) -> (0)>
module attributes {stable_mosaic.version = 14 : i64} {
  func.func @_sc_gather_kernel(%arg0: i32, %arg1: i32, %arg2: memref<100000x128xf32, #tpu.memory_space<hbm>>, %arg3: memref<36864xi32, #tpu.memory_space<hbm>>, %arg4: memref<36864x128xf32, #tpu.memory_space<hbm>>, %arg5: memref<1152xi32, #tpu.memory_space<vmem>>, %arg6: memref<384x128xf32, #tpu.memory_space<vmem>>, %arg7: memref<384x128xf32, #tpu.memory_space<vmem>>, %arg8: memref<!tpu.dma_semaphore, #tpu.memory_space<semaphore_mem>>, %arg9: memref<!tpu.dma_semaphore, #tpu.memory_space<semaphore_mem>>) attributes {dimension_semantics = [#tpu.dimension_semantics<core_parallel>, #tpu.dimension_semantics<subcore_parallel>], iteration_bounds = array<i64: 2, 16>, scalar_prefetch = 0 : i64, scratch_operands = 5 : i64, tpu.core_type = #tpu.core_type<sc_vector_subcore>, window_params = [{transform_indices = #map}, {transform_indices = #map1}, {transform_indices = #map}]} {
    %mul3A = arith.constant 2 : i32
    %mul3A_0 = arith.muli %arg1, %mul3A : i32
    %add3A = arith.addi %mul3A_0, %arg0 : i32
    %mul3A_1 = arith.constant 1152 : i32
    %mul3A_2 = arith.muli %add3A, %mul3A_1 : i32
    "tpu.region"() ({
      %run_scoped3A = tpu.sem_alloc : memref<!tpu.dma_semaphore, #tpu.memory_space<semaphore_mem>>
      %dma_start3A_37 = tpu.memref_slice %arg3[%mul3A_2] : memref<36864xi32, #tpu.memory_space<hbm>> -> memref<1152xi32, #tpu.memory_space<hbm>>
      %dma_start3A_38 = tpu.memref_slice %arg3[%mul3A_2] : memref<36864xi32, #tpu.memory_space<hbm>> -> memref<1152xi32, #tpu.memory_space<hbm>>
      tpu.enqueue_dma source(%dma_start3A_38 : memref<1152xi32, #tpu.memory_space<hbm>>) target(%arg5 : memref<1152xi32, #tpu.memory_space<vmem>>) target_semaphore(%run_scoped3A : memref<!tpu.dma_semaphore, #tpu.memory_space<semaphore_mem>>)
      %dma_wait3A_39 = tpu.memref_slice %arg3[%mul3A_2] : memref<36864xi32, #tpu.memory_space<hbm>> -> memref<1152xi32, #tpu.memory_space<hbm>>
      %dma_wait3A_40 = tpu.memref_slice %arg3[%mul3A_2] : memref<36864xi32, #tpu.memory_space<hbm>> -> memref<1152xi32, #tpu.memory_space<hbm>>
      tpu.wait_dma2 semaphore(%run_scoped3A : memref<!tpu.dma_semaphore, #tpu.memory_space<semaphore_mem>>) src(%dma_wait3A_40 : memref<1152xi32, #tpu.memory_space<hbm>>) dst(%arg5 : memref<1152xi32, #tpu.memory_space<vmem>>)
      tpu.yield
    }) : () -> ()
    %dma_start3A = arith.constant 0 : i32
    %dma_start3A_3 = tpu.memref_slice %arg5[%dma_start3A] : memref<1152xi32, #tpu.memory_space<vmem>> -> memref<384xi32, #tpu.memory_space<vmem>>
    %dma_start3A_4 = arith.constant 0 : i32
    %dma_start3A_5 = arith.constant 0 : i32
    %dma_start3A_6 = tpu.memref_slice %arg2[%dma_start3A_4, %dma_start3A_5] : memref<100000x128xf32, #tpu.memory_space<hbm>> -> memref<100000x128xf32, #tpu.memory_space<hbm>>
    tpu.enqueue_indirect_dma source(%dma_start3A_6 : memref<100000x128xf32, #tpu.memory_space<hbm>>) target(%arg6 : memref<384x128xf32, #tpu.memory_space<vmem>>) offsets(%dma_start3A_3 : memref<384xi32, #tpu.memory_space<vmem>>) semaphore(%arg8 : memref<!tpu.dma_semaphore, #tpu.memory_space<semaphore_mem>>)
    %dma_start3A_7 = arith.constant 384 : i32
    %dma_start3A_8 = tpu.memref_slice %arg5[%dma_start3A_7] : memref<1152xi32, #tpu.memory_space<vmem>> -> memref<384xi32, #tpu.memory_space<vmem>>
    %dma_start3A_9 = arith.constant 0 : i32
    %dma_start3A_10 = arith.constant 0 : i32
    %dma_start3A_11 = tpu.memref_slice %arg2[%dma_start3A_9, %dma_start3A_10] : memref<100000x128xf32, #tpu.memory_space<hbm>> -> memref<100000x128xf32, #tpu.memory_space<hbm>>
    tpu.enqueue_indirect_dma source(%dma_start3A_11 : memref<100000x128xf32, #tpu.memory_space<hbm>>) target(%arg7 : memref<384x128xf32, #tpu.memory_space<vmem>>) offsets(%dma_start3A_8 : memref<384xi32, #tpu.memory_space<vmem>>) semaphore(%arg9 : memref<!tpu.dma_semaphore, #tpu.memory_space<semaphore_mem>>)
    %dma_wait3A = arith.constant 0 : i32
    %dma_wait3A_12 = tpu.memref_slice %arg5[%dma_wait3A] : memref<1152xi32, #tpu.memory_space<vmem>> -> memref<384xi32, #tpu.memory_space<vmem>>
    %dma_wait3A_13 = arith.constant 0 : i32
    %dma_wait3A_14 = arith.constant 0 : i32
    %dma_wait3A_15 = tpu.memref_slice %arg2[%dma_wait3A_13, %dma_wait3A_14] : memref<100000x128xf32, #tpu.memory_space<hbm>> -> memref<100000x128xf32, #tpu.memory_space<hbm>>
    tpu.wait_indirect_dma semaphore(%arg8 : memref<!tpu.dma_semaphore, #tpu.memory_space<semaphore_mem>>) src(%dma_wait3A_15 : memref<100000x128xf32, #tpu.memory_space<hbm>>) dst(%arg6 : memref<384x128xf32, #tpu.memory_space<vmem>>)
    %add3A_16 = arith.constant 0 : i32
    %add3A_17 = arith.addi %mul3A_2, %add3A_16 : i32
    "tpu.region"() ({
      %run_scoped3A = tpu.sem_alloc : memref<!tpu.dma_semaphore, #tpu.memory_space<semaphore_mem>>
      %dma_start3A_37 = arith.constant 0 : i32
      %dma_start3A_38 = tpu.memref_slice %arg4[%add3A_17, %dma_start3A_37] : memref<36864x128xf32, #tpu.memory_space<hbm>> -> memref<384x128xf32, #tpu.memory_space<hbm>>
      %dma_start3A_39 = arith.constant 0 : i32
      %dma_start3A_40 = tpu.memref_slice %arg4[%add3A_17, %dma_start3A_39] : memref<36864x128xf32, #tpu.memory_space<hbm>> -> memref<384x128xf32, #tpu.memory_space<hbm>>
      tpu.enqueue_dma source(%arg6 : memref<384x128xf32, #tpu.memory_space<vmem>>) target(%dma_start3A_40 : memref<384x128xf32, #tpu.memory_space<hbm>>) target_semaphore(%run_scoped3A : memref<!tpu.dma_semaphore, #tpu.memory_space<semaphore_mem>>)
      %dma_wait3A_41 = arith.constant 0 : i32
      %dma_wait3A_42 = tpu.memref_slice %arg4[%add3A_17, %dma_wait3A_41] : memref<36864x128xf32, #tpu.memory_space<hbm>> -> memref<384x128xf32, #tpu.memory_space<hbm>>
      %dma_wait3A_43 = arith.constant 0 : i32
      %dma_wait3A_44 = tpu.memref_slice %arg4[%add3A_17, %dma_wait3A_43] : memref<36864x128xf32, #tpu.memory_space<hbm>> -> memref<384x128xf32, #tpu.memory_space<hbm>>
      tpu.wait_dma2 semaphore(%run_scoped3A : memref<!tpu.dma_semaphore, #tpu.memory_space<semaphore_mem>>) src(%arg6 : memref<384x128xf32, #tpu.memory_space<vmem>>) dst(%dma_wait3A_44 : memref<384x128xf32, #tpu.memory_space<hbm>>)
      tpu.yield
    }) : () -> ()
    %dma_start3A_18 = arith.constant 768 : i32
    %dma_start3A_19 = tpu.memref_slice %arg5[%dma_start3A_18] : memref<1152xi32, #tpu.memory_space<vmem>> -> memref<384xi32, #tpu.memory_space<vmem>>
    %dma_start3A_20 = arith.constant 0 : i32
    %dma_start3A_21 = arith.constant 0 : i32
    %dma_start3A_22 = tpu.memref_slice %arg2[%dma_start3A_20, %dma_start3A_21] : memref<100000x128xf32, #tpu.memory_space<hbm>> -> memref<100000x128xf32, #tpu.memory_space<hbm>>
    tpu.enqueue_indirect_dma source(%dma_start3A_22 : memref<100000x128xf32, #tpu.memory_space<hbm>>) target(%arg6 : memref<384x128xf32, #tpu.memory_space<vmem>>) offsets(%dma_start3A_19 : memref<384xi32, #tpu.memory_space<vmem>>) semaphore(%arg8 : memref<!tpu.dma_semaphore, #tpu.memory_space<semaphore_mem>>)
    %dma_wait3A_23 = arith.constant 384 : i32
    %dma_wait3A_24 = tpu.memref_slice %arg5[%dma_wait3A_23] : memref<1152xi32, #tpu.memory_space<vmem>> -> memref<384xi32, #tpu.memory_space<vmem>>
    %dma_wait3A_25 = arith.constant 0 : i32
    %dma_wait3A_26 = arith.constant 0 : i32
    %dma_wait3A_27 = tpu.memref_slice %arg2[%dma_wait3A_25, %dma_wait3A_26] : memref<100000x128xf32, #tpu.memory_space<hbm>> -> memref<100000x128xf32, #tpu.memory_space<hbm>>
    tpu.wait_indirect_dma semaphore(%arg9 : memref<!tpu.dma_semaphore, #tpu.memory_space<semaphore_mem>>) src(%dma_wait3A_27 : memref<100000x128xf32, #tpu.memory_space<hbm>>) dst(%arg7 : memref<384x128xf32, #tpu.memory_space<vmem>>)
    %add3A_28 = arith.constant 384 : i32
    %add3A_29 = arith.addi %mul3A_2, %add3A_28 : i32
    "tpu.region"() ({
      %run_scoped3A = tpu.sem_alloc : memref<!tpu.dma_semaphore, #tpu.memory_space<semaphore_mem>>
      %dma_start3A_37 = arith.constant 0 : i32
      %dma_start3A_38 = tpu.memref_slice %arg4[%add3A_29, %dma_start3A_37] : memref<36864x128xf32, #tpu.memory_space<hbm>> -> memref<384x128xf32, #tpu.memory_space<hbm>>
      %dma_start3A_39 = arith.constant 0 : i32
      %dma_start3A_40 = tpu.memref_slice %arg4[%add3A_29, %dma_start3A_39] : memref<36864x128xf32, #tpu.memory_space<hbm>> -> memref<384x128xf32, #tpu.memory_space<hbm>>
      tpu.enqueue_dma source(%arg7 : memref<384x128xf32, #tpu.memory_space<vmem>>) target(%dma_start3A_40 : memref<384x128xf32, #tpu.memory_space<hbm>>) target_semaphore(%run_scoped3A : memref<!tpu.dma_semaphore, #tpu.memory_space<semaphore_mem>>)
      %dma_wait3A_41 = arith.constant 0 : i32
      %dma_wait3A_42 = tpu.memref_slice %arg4[%add3A_29, %dma_wait3A_41] : memref<36864x128xf32, #tpu.memory_space<hbm>> -> memref<384x128xf32, #tpu.memory_space<hbm>>
      %dma_wait3A_43 = arith.constant 0 : i32
      %dma_wait3A_44 = tpu.memref_slice %arg4[%add3A_29, %dma_wait3A_43] : memref<36864x128xf32, #tpu.memory_space<hbm>> -> memref<384x128xf32, #tpu.memory_space<hbm>>
      tpu.wait_dma2 semaphore(%run_scoped3A : memref<!tpu.dma_semaphore, #tpu.memory_space<semaphore_mem>>) src(%arg7 : memref<384x128xf32, #tpu.memory_space<vmem>>) dst(%dma_wait3A_44 : memref<384x128xf32, #tpu.memory_space<hbm>>)
      tpu.yield
    }) : () -> ()
    %dma_wait3A_30 = arith.constant 768 : i32
    %dma_wait3A_31 = tpu.memref_slice %arg5[%dma_wait3A_30] : memref<1152xi32, #tpu.memory_space<vmem>> -> memref<384xi32, #tpu.memory_space<vmem>>
    %dma_wait3A_32 = arith.constant 0 : i32
    %dma_wait3A_33 = arith.constant 0 : i32
    %dma_wait3A_34 = tpu.memref_slice %arg2[%dma_wait3A_32, %dma_wait3A_33] : memref<100000x128xf32, #tpu.memory_space<hbm>> -> memref<100000x128xf32, #tpu.memory_space<hbm>>
    tpu.wait_indirect_dma semaphore(%arg8 : memref<!tpu.dma_semaphore, #tpu.memory_space<semaphore_mem>>) src(%dma_wait3A_34 : memref<100000x128xf32, #tpu.memory_space<hbm>>) dst(%arg6 : memref<384x128xf32, #tpu.memory_space<vmem>>)
    %add3A_35 = arith.constant 768 : i32
    %add3A_36 = arith.addi %mul3A_2, %add3A_35 : i32
    "tpu.region"() ({
      %run_scoped3A = tpu.sem_alloc : memref<!tpu.dma_semaphore, #tpu.memory_space<semaphore_mem>>
      %dma_start3A_37 = arith.constant 0 : i32
      %dma_start3A_38 = tpu.memref_slice %arg4[%add3A_36, %dma_start3A_37] : memref<36864x128xf32, #tpu.memory_space<hbm>> -> memref<384x128xf32, #tpu.memory_space<hbm>>
      %dma_start3A_39 = arith.constant 0 : i32
      %dma_start3A_40 = tpu.memref_slice %arg4[%add3A_36, %dma_start3A_39] : memref<36864x128xf32, #tpu.memory_space<hbm>> -> memref<384x128xf32, #tpu.memory_space<hbm>>
      tpu.enqueue_dma source(%arg6 : memref<384x128xf32, #tpu.memory_space<vmem>>) target(%dma_start3A_40 : memref<384x128xf32, #tpu.memory_space<hbm>>) target_semaphore(%run_scoped3A : memref<!tpu.dma_semaphore, #tpu.memory_space<semaphore_mem>>)
      %dma_wait3A_41 = arith.constant 0 : i32
      %dma_wait3A_42 = tpu.memref_slice %arg4[%add3A_36, %dma_wait3A_41] : memref<36864x128xf32, #tpu.memory_space<hbm>> -> memref<384x128xf32, #tpu.memory_space<hbm>>
      %dma_wait3A_43 = arith.constant 0 : i32
      %dma_wait3A_44 = tpu.memref_slice %arg4[%add3A_36, %dma_wait3A_43] : memref<36864x128xf32, #tpu.memory_space<hbm>> -> memref<384x128xf32, #tpu.memory_space<hbm>>
      tpu.wait_dma2 semaphore(%run_scoped3A : memref<!tpu.dma_semaphore, #tpu.memory_space<semaphore_mem>>) src(%arg6 : memref<384x128xf32, #tpu.memory_space<vmem>>) dst(%dma_wait3A_44 : memref<384x128xf32, #tpu.memory_space<hbm>>)
      tpu.yield
    }) : () -> ()
    return
  }
}

module attributes {stable_mosaic.version = 14 : i64} {
  func.func @_lstm_step_kernel(%arg0: i32, %arg1: memref<4x1024x128xf32, #tpu.memory_space<vmem>>, %arg2: memref<4x1024x128xf32, #tpu.memory_space<vmem>>, %arg3: memref<128x512xbf16, #tpu.memory_space<vmem>>, %arg4: memref<128x512xbf16, #tpu.memory_space<vmem>>, %arg5: memref<1x512xf32, #tpu.memory_space<vmem>>, %arg6: memref<128x512xbf16, #tpu.memory_space<vmem>>, %arg7: memref<128x512xbf16, #tpu.memory_space<vmem>>, %arg8: memref<1x512xf32, #tpu.memory_space<vmem>>, %arg9: memref<256x192xbf16, #tpu.memory_space<vmem>>, %arg10: memref<1x192xf32, #tpu.memory_space<vmem>>, %arg11: memref<1024x192xbf16, #tpu.memory_space<vmem>>, %arg12: memref<1024x128xf32, #tpu.memory_space<vmem>>, %arg13: memref<1024x128xf32, #tpu.memory_space<vmem>>, %arg14: memref<1024x128xf32, #tpu.memory_space<vmem>>, %arg15: memref<1024x128xf32, #tpu.memory_space<vmem>>) attributes {dimension_semantics = [#tpu.dimension_semantics<arbitrary>], iteration_bounds = array<i64: 9>, scalar_prefetch = 0 : i64, scratch_operands = 4 : i64, tpu.core_type = #tpu.core_type<tc>, window_params = [{transform_indices = @transform_0, window_bounds = array<i64: 4, 1024, 128>}, {transform_indices = @transform_1, window_bounds = array<i64: 4, 1024, 128>}, {pipeline_mode = #tpu.pipeline_mode<synchronous>, transform_indices = @transform_2, window_bounds = array<i64: 128, 512>}, {pipeline_mode = #tpu.pipeline_mode<synchronous>, transform_indices = @transform_3, window_bounds = array<i64: 128, 512>}, {pipeline_mode = #tpu.pipeline_mode<synchronous>, transform_indices = @transform_4, window_bounds = array<i64: 1, 512>}, {pipeline_mode = #tpu.pipeline_mode<synchronous>, transform_indices = @transform_5, window_bounds = array<i64: 128, 512>}, {pipeline_mode = #tpu.pipeline_mode<synchronous>, transform_indices = @transform_6, window_bounds = array<i64: 128, 512>}, {pipeline_mode = #tpu.pipeline_mode<synchronous>, transform_indices = @transform_7, window_bounds = array<i64: 1, 512>}, {pipeline_mode = #tpu.pipeline_mode<synchronous>, transform_indices = @transform_8, window_bounds = array<i64: 256, 192>}, {pipeline_mode = #tpu.pipeline_mode<synchronous>, transform_indices = @transform_9, window_bounds = array<i64: 1, 192>}, {pipeline_mode = #tpu.pipeline_mode<synchronous>, transform_indices = @transform_10, window_bounds = array<i64: 1024, 192>}]} {
    %eq3A = arith.constant 0 : i32
    %eq3A_0 = arith.cmpi eq, %arg0, %eq3A : i32
    %convert_element_type3A = arith.extui %eq3A_0 : i1 to i32
    %cond3A = arith.constant 0 : i32
    %cond3A_1 = arith.cmpi ne, %convert_element_type3A, %cond3A : i32
    scf.if %cond3A_1 {
      %broadcast_in_dim3A = arith.constant 0.000000e+00 : f32
      %broadcast_in_dim3A_503 = vector.broadcast %broadcast_in_dim3A : f32 to vector<1024x128xf32>
      %swap3A_504 = arith.constant 0 : index
      %swap3A_505 = arith.constant 0 : index
      %swap3A_506 = vector.load %arg12[%swap3A_504, %swap3A_505] : memref<1024x128xf32, #tpu.memory_space<vmem>>, vector<1024x128xf32>
      tpu.vector_store %arg12[%swap3A_504, %swap3A_505], %broadcast_in_dim3A_503 {strides = array<i32>} : memref<1024x128xf32, #tpu.memory_space<vmem>>, vector<1024x128xf32>,
      %broadcast_in_dim3A_507 = arith.constant 0.000000e+00 : f32
      %broadcast_in_dim3A_508 = vector.broadcast %broadcast_in_dim3A_507 : f32 to vector<1024x128xf32>
      %swap3A_509 = arith.constant 0 : index
      %swap3A_510 = arith.constant 0 : index
      %swap3A_511 = vector.load %arg13[%swap3A_509, %swap3A_510] : memref<1024x128xf32, #tpu.memory_space<vmem>>, vector<1024x128xf32>
      tpu.vector_store %arg13[%swap3A_509, %swap3A_510], %broadcast_in_dim3A_508 {strides = array<i32>} : memref<1024x128xf32, #tpu.memory_space<vmem>>, vector<1024x128xf32>,
      %broadcast_in_dim3A_512 = arith.constant 0.000000e+00 : f32
      %broadcast_in_dim3A_513 = vector.broadcast %broadcast_in_dim3A_512 : f32 to vector<1024x128xf32>
      %swap3A_514 = arith.constant 0 : index
      %swap3A_515 = arith.constant 0 : index
      %swap3A_516 = vector.load %arg14[%swap3A_514, %swap3A_515] : memref<1024x128xf32, #tpu.memory_space<vmem>>, vector<1024x128xf32>
      tpu.vector_store %arg14[%swap3A_514, %swap3A_515], %broadcast_in_dim3A_513 {strides = array<i32>} : memref<1024x128xf32, #tpu.memory_space<vmem>>, vector<1024x128xf32>,
      %broadcast_in_dim3A_517 = arith.constant 0.000000e+00 : f32
      %broadcast_in_dim3A_518 = vector.broadcast %broadcast_in_dim3A_517 : f32 to vector<1024x128xf32>
      %swap3A_519 = arith.constant 0 : index
      %swap3A_520 = arith.constant 0 : index
      %swap3A_521 = vector.load %arg15[%swap3A_519, %swap3A_520] : memref<1024x128xf32, #tpu.memory_space<vmem>>, vector<1024x128xf32>
      tpu.vector_store %arg15[%swap3A_519, %swap3A_520], %broadcast_in_dim3A_518 {strides = array<i32>} : memref<1024x128xf32, #tpu.memory_space<vmem>>, vector<1024x128xf32>,
    } else {
    }
    %get3A = arith.constant 0 : index
    %get3A_2 = arith.constant 0 : index
    %get3A_3 = arith.constant 0 : index
    %get3A_4 = vector.load %arg1[%get3A, %get3A_2, %get3A_3] : memref<4x1024x128xf32, #tpu.memory_space<vmem>>, vector<1x1024x128xf32>
    %get3A_5 = vector.shape_cast %get3A_4 : vector<1x1024x128xf32> to vector<1024x128xf32>
    %convert_element_type3A_6 = arith.truncf %get3A_5 : vector<1024x128xf32> to vector<1024x128xbf16>
    %get3A_7 = arith.constant 0 : index
    %get3A_8 = arith.constant 0 : index
    %get3A_9 = vector.load %arg12[%get3A_7, %get3A_8] : memref<1024x128xf32, #tpu.memory_space<vmem>>, vector<1024x128xf32>
    %convert_element_type3A_10 = arith.truncf %get3A_9 : vector<1024x128xf32> to vector<1024x128xbf16>
    %get3A_11 = arith.constant 0 : index
    %get3A_12 = arith.constant 0 : index
    %get3A_13 = vector.load %arg3[%get3A_11, %get3A_12] : memref<128x512xbf16, #tpu.memory_space<vmem>>, vector<128x512xbf16>
    %dot_general3A = arith.constant dense<0.000000e+00> : vector<1024x512xf32>
    %dot_general3A_14 = tpu.matmul %convert_element_type3A_6, %get3A_13, %dot_general3A {dimension_numbers = #tpu.dot_dimension_numbers<[1], [0], [0], [1], [0, 0, 1, 1], [], []>, transpose_lhs_hint = false} : vector<1024x128xbf16>, vector<128x512xbf16>, vector<1024x512xf32> -> vector<1024x512xf32>
    %get3A_15 = arith.constant 0 : index
    %get3A_16 = arith.constant 0 : index
    %get3A_17 = vector.load %arg4[%get3A_15, %get3A_16] : memref<128x512xbf16, #tpu.memory_space<vmem>>, vector<128x512xbf16>
    %dot_general3A_18 = arith.constant dense<0.000000e+00> : vector<1024x512xf32>
    %dot_general3A_19 = tpu.matmul %convert_element_type3A_10, %get3A_17, %dot_general3A_18 {dimension_numbers = #tpu.dot_dimension_numbers<[1], [0], [0], [1], [0, 0, 1, 1], [], []>, transpose_lhs_hint = false} : vector<1024x128xbf16>, vector<128x512xbf16>, vector<1024x512xf32> -> vector<1024x512xf32>
    %add3A = arith.addf %dot_general3A_14, %dot_general3A_19 : vector<1024x512xf32>
    %get3A_20 = arith.constant 0 : index
    %get3A_21 = arith.constant 0 : index
    %get3A_22 = vector.load %arg5[%get3A_20, %get3A_21] : memref<1x512xf32, #tpu.memory_space<vmem>>, vector<1x512xf32>
    %add3A_23 = vector.broadcast %get3A_22 : vector<1x512xf32> to vector<1024x512xf32>
    %add3A_24 = arith.addf %add3A, %add3A_23 : vector<1024x512xf32>
    %slice3A = vector.extract_strided_slice %add3A_24 {offsets = [0, 0], sizes = [1024, 128], strides = [1, 1]} : vector<1024x512xf32> to vector<1024x128xf32>
    %logistic3A = arith.negf %slice3A : vector<1024x128xf32>
    %logistic3A_25 = math.exp %logistic3A : vector<1024x128xf32>
    %logistic3A_26 = arith.constant 1.000000e+00 : f32
    %logistic3A_27 = vector.broadcast %logistic3A_26 : f32 to vector<1024x128xf32>
    %logistic3A_28 = arith.addf %logistic3A_27, %logistic3A_25 : vector<1024x128xf32>
    %logistic3A_29 = arith.divf %logistic3A_27, %logistic3A_28 : vector<1024x128xf32>
    %slice3A_30 = vector.extract_strided_slice %add3A_24 {offsets = [0, 128], sizes = [1024, 128], strides = [1, 1]} : vector<1024x512xf32> to vector<1024x128xf32>
    %logistic3A_31 = arith.negf %slice3A_30 : vector<1024x128xf32>
    %logistic3A_32 = math.exp %logistic3A_31 : vector<1024x128xf32>
    %logistic3A_33 = arith.constant 1.000000e+00 : f32
    %logistic3A_34 = vector.broadcast %logistic3A_33 : f32 to vector<1024x128xf32>
    %logistic3A_35 = arith.addf %logistic3A_34, %logistic3A_32 : vector<1024x128xf32>
    %logistic3A_36 = arith.divf %logistic3A_34, %logistic3A_35 : vector<1024x128xf32>
    %slice3A_37 = vector.extract_strided_slice %add3A_24 {offsets = [0, 256], sizes = [1024, 128], strides = [1, 1]} : vector<1024x512xf32> to vector<1024x128xf32>
    %tanh3A = math.tanh %slice3A_37 : vector<1024x128xf32>
    %slice3A_38 = vector.extract_strided_slice %add3A_24 {offsets = [0, 384], sizes = [1024, 128], strides = [1, 1]} : vector<1024x512xf32> to vector<1024x128xf32>
    %logistic3A_39 = arith.negf %slice3A_38 : vector<1024x128xf32>
    %logistic3A_40 = math.exp %logistic3A_39 : vector<1024x128xf32>
    %logistic3A_41 = arith.constant 1.000000e+00 : f32
    %logistic3A_42 = vector.broadcast %logistic3A_41 : f32 to vector<1024x128xf32>
    %logistic3A_43 = arith.addf %logistic3A_42, %logistic3A_40 : vector<1024x128xf32>
    %logistic3A_44 = arith.divf %logistic3A_42, %logistic3A_43 : vector<1024x128xf32>
    %get3A_45 = arith.constant 0 : index
    %get3A_46 = arith.constant 0 : index
    %get3A_47 = vector.load %arg13[%get3A_45, %get3A_46] : memref<1024x128xf32, #tpu.memory_space<vmem>>, vector<1024x128xf32>
    %mul3A = arith.mulf %logistic3A_36, %get3A_47 : vector<1024x128xf32>
    %mul3A_48 = arith.mulf %logistic3A_29, %tanh3A : vector<1024x128xf32>
    %add3A_49 = arith.addf %mul3A, %mul3A_48 : vector<1024x128xf32>
    %tanh3A_50 = math.tanh %add3A_49 : vector<1024x128xf32>
    %mul3A_51 = arith.mulf %logistic3A_44, %tanh3A_50 : vector<1024x128xf32>
    %swap3A = arith.constant 0 : index
    %swap3A_52 = arith.constant 0 : index
    %swap3A_53 = vector.load %arg12[%swap3A, %swap3A_52] : memref<1024x128xf32, #tpu.memory_space<vmem>>, vector<1024x128xf32>
    tpu.vector_store %arg12[%swap3A, %swap3A_52], %mul3A_51 {strides = array<i32>} : memref<1024x128xf32, #tpu.memory_space<vmem>>, vector<1024x128xf32>,
    %swap3A_54 = arith.constant 0 : index
    %swap3A_55 = arith.constant 0 : index
    %swap3A_56 = vector.load %arg13[%swap3A_54, %swap3A_55] : memref<1024x128xf32, #tpu.memory_space<vmem>>, vector<1024x128xf32>
    tpu.vector_store %arg13[%swap3A_54, %swap3A_55], %add3A_49 {strides = array<i32>} : memref<1024x128xf32, #tpu.memory_space<vmem>>, vector<1024x128xf32>,
    %get3A_57 = arith.constant 3 : index
    %get3A_58 = arith.constant 0 : index
    %get3A_59 = arith.constant 0 : index
    %get3A_60 = vector.load %arg2[%get3A_57, %get3A_58, %get3A_59] : memref<4x1024x128xf32, #tpu.memory_space<vmem>>, vector<1x1024x128xf32>
    %get3A_61 = vector.shape_cast %get3A_60 : vector<1x1024x128xf32> to vector<1024x128xf32>
    %convert_element_type3A_62 = arith.truncf %get3A_61 : vector<1024x128xf32> to vector<1024x128xbf16>
    %get3A_63 = arith.constant 0 : index
    %get3A_64 = arith.constant 0 : index
    %get3A_65 = vector.load %arg14[%get3A_63, %get3A_64] : memref<1024x128xf32, #tpu.memory_space<vmem>>, vector<1024x128xf32>
    %convert_element_type3A_66 = arith.truncf %get3A_65 : vector<1024x128xf32> to vector<1024x128xbf16>
    %get3A_67 = arith.constant 0 : index
    %get3A_68 = arith.constant 0 : index
    %get3A_69 = vector.load %arg6[%get3A_67, %get3A_68] : memref<128x512xbf16, #tpu.memory_space<vmem>>, vector<128x512xbf16>
    %dot_general3A_70 = arith.constant dense<0.000000e+00> : vector<1024x512xf32>
    %dot_general3A_71 = tpu.matmul %convert_element_type3A_62, %get3A_69, %dot_general3A_70 {dimension_numbers = #tpu.dot_dimension_numbers<[1], [0], [0], [1], [0, 0, 1, 1], [], []>, transpose_lhs_hint = false} : vector<1024x128xbf16>, vector<128x512xbf16>, vector<1024x512xf32> -> vector<1024x512xf32>
    %get3A_72 = arith.constant 0 : index
    %get3A_73 = arith.constant 0 : index
    %get3A_74 = vector.load %arg7[%get3A_72, %get3A_73] : memref<128x512xbf16, #tpu.memory_space<vmem>>, vector<128x512xbf16>
    %dot_general3A_75 = arith.constant dense<0.000000e+00> : vector<1024x512xf32>
    %dot_general3A_76 = tpu.matmul %convert_element_type3A_66, %get3A_74, %dot_general3A_75 {dimension_numbers = #tpu.dot_dimension_numbers<[1], [0], [0], [1], [0, 0, 1, 1], [], []>, transpose_lhs_hint = false} : vector<1024x128xbf16>, vector<128x512xbf16>, vector<1024x512xf32> -> vector<1024x512xf32>
    %add3A_77 = arith.addf %dot_general3A_71, %dot_general3A_76 : vector<1024x512xf32>
    %get3A_78 = arith.constant 0 : index
    %get3A_79 = arith.constant 0 : index
    %get3A_80 = vector.load %arg8[%get3A_78, %get3A_79] : memref<1x512xf32, #tpu.memory_space<vmem>>, vector<1x512xf32>
    %add3A_81 = vector.broadcast %get3A_80 : vector<1x512xf32> to vector<1024x512xf32>
    %add3A_82 = arith.addf %add3A_77, %add3A_81 : vector<1024x512xf32>
    %slice3A_83 = vector.extract_strided_slice %add3A_82 {offsets = [0, 0], sizes = [1024, 128], strides = [1, 1]} : vector<1024x512xf32> to vector<1024x128xf32>
    %logistic3A_84 = arith.negf %slice3A_83 : vector<1024x128xf32>
    %logistic3A_85 = math.exp %logistic3A_84 : vector<1024x128xf32>
    %logistic3A_86 = arith.constant 1.000000e+00 : f32
    %logistic3A_87 = vector.broadcast %logistic3A_86 : f32 to vector<1024x128xf32>
    %logistic3A_88 = arith.addf %logistic3A_87, %logistic3A_85 : vector<1024x128xf32>
    %logistic3A_89 = arith.divf %logistic3A_87, %logistic3A_88 : vector<1024x128xf32>
    %slice3A_90 = vector.extract_strided_slice %add3A_82 {offsets = [0, 128], sizes = [1024, 128], strides = [1, 1]} : vector<1024x512xf32> to vector<1024x128xf32>
    %logistic3A_91 = arith.negf %slice3A_90 : vector<1024x128xf32>
    %logistic3A_92 = math.exp %logistic3A_91 : vector<1024x128xf32>
    %logistic3A_93 = arith.constant 1.000000e+00 : f32
    %logistic3A_94 = vector.broadcast %logistic3A_93 : f32 to vector<1024x128xf32>
    %logistic3A_95 = arith.addf %logistic3A_94, %logistic3A_92 : vector<1024x128xf32>
    %logistic3A_96 = arith.divf %logistic3A_94, %logistic3A_95 : vector<1024x128xf32>
    %slice3A_97 = vector.extract_strided_slice %add3A_82 {offsets = [0, 256], sizes = [1024, 128], strides = [1, 1]} : vector<1024x512xf32> to vector<1024x128xf32>
    %tanh3A_98 = math.tanh %slice3A_97 : vector<1024x128xf32>
    %slice3A_99 = vector.extract_strided_slice %add3A_82 {offsets = [0, 384], sizes = [1024, 128], strides = [1, 1]} : vector<1024x512xf32> to vector<1024x128xf32>
    %logistic3A_100 = arith.negf %slice3A_99 : vector<1024x128xf32>
    %logistic3A_101 = math.exp %logistic3A_100 : vector<1024x128xf32>
    %logistic3A_102 = arith.constant 1.000000e+00 : f32
    %logistic3A_103 = vector.broadcast %logistic3A_102 : f32 to vector<1024x128xf32>
    %logistic3A_104 = arith.addf %logistic3A_103, %logistic3A_101 : vector<1024x128xf32>
    %logistic3A_105 = arith.divf %logistic3A_103, %logistic3A_104 : vector<1024x128xf32>
    %get3A_106 = arith.constant 0 : index
    %get3A_107 = arith.constant 0 : index
    %get3A_108 = vector.load %arg15[%get3A_106, %get3A_107] : memref<1024x128xf32, #tpu.memory_space<vmem>>, vector<1024x128xf32>
    %mul3A_109 = arith.mulf %logistic3A_96, %get3A_108 : vector<1024x128xf32>
    %mul3A_110 = arith.mulf %logistic3A_89, %tanh3A_98 : vector<1024x128xf32>
    %add3A_111 = arith.addf %mul3A_109, %mul3A_110 : vector<1024x128xf32>
    %tanh3A_112 = math.tanh %add3A_111 : vector<1024x128xf32>
    %mul3A_113 = arith.mulf %logistic3A_105, %tanh3A_112 : vector<1024x128xf32>
    %swap3A_114 = arith.constant 0 : index
    %swap3A_115 = arith.constant 0 : index
    %swap3A_116 = vector.load %arg14[%swap3A_114, %swap3A_115] : memref<1024x128xf32, #tpu.memory_space<vmem>>, vector<1024x128xf32>
    tpu.vector_store %arg14[%swap3A_114, %swap3A_115], %mul3A_113 {strides = array<i32>} : memref<1024x128xf32, #tpu.memory_space<vmem>>, vector<1024x128xf32>,
    %swap3A_117 = arith.constant 0 : index
    %swap3A_118 = arith.constant 0 : index
    %swap3A_119 = vector.load %arg15[%swap3A_117, %swap3A_118] : memref<1024x128xf32, #tpu.memory_space<vmem>>, vector<1024x128xf32>
    tpu.vector_store %arg15[%swap3A_117, %swap3A_118], %add3A_111 {strides = array<i32>} : memref<1024x128xf32, #tpu.memory_space<vmem>>, vector<1024x128xf32>,
    %get3A_120 = arith.constant 1 : index
    %get3A_121 = arith.constant 0 : index
    %get3A_122 = arith.constant 0 : index
    %get3A_123 = vector.load %arg1[%get3A_120, %get3A_121, %get3A_122] : memref<4x1024x128xf32, #tpu.memory_space<vmem>>, vector<1x1024x128xf32>
    %get3A_124 = vector.shape_cast %get3A_123 : vector<1x1024x128xf32> to vector<1024x128xf32>
    %convert_element_type3A_125 = arith.truncf %get3A_124 : vector<1024x128xf32> to vector<1024x128xbf16>
    %get3A_126 = arith.constant 0 : index
    %get3A_127 = arith.constant 0 : index
    %get3A_128 = vector.load %arg12[%get3A_126, %get3A_127] : memref<1024x128xf32, #tpu.memory_space<vmem>>, vector<1024x128xf32>
    %convert_element_type3A_129 = arith.truncf %get3A_128 : vector<1024x128xf32> to vector<1024x128xbf16>
    %get3A_130 = arith.constant 0 : index
    %get3A_131 = arith.constant 0 : index
    %get3A_132 = vector.load %arg3[%get3A_130, %get3A_131] : memref<128x512xbf16, #tpu.memory_space<vmem>>, vector<128x512xbf16>
    %dot_general3A_133 = arith.constant dense<0.000000e+00> : vector<1024x512xf32>
    %dot_general3A_134 = tpu.matmul %convert_element_type3A_125, %get3A_132, %dot_general3A_133 {dimension_numbers = #tpu.dot_dimension_numbers<[1], [0], [0], [1], [0, 0, 1, 1], [], []>, transpose_lhs_hint = false} : vector<1024x128xbf16>, vector<128x512xbf16>, vector<1024x512xf32> -> vector<1024x512xf32>
    %get3A_135 = arith.constant 0 : index
    %get3A_136 = arith.constant 0 : index
    %get3A_137 = vector.load %arg4[%get3A_135, %get3A_136] : memref<128x512xbf16, #tpu.memory_space<vmem>>, vector<128x512xbf16>
    %dot_general3A_138 = arith.constant dense<0.000000e+00> : vector<1024x512xf32>
    %dot_general3A_139 = tpu.matmul %convert_element_type3A_129, %get3A_137, %dot_general3A_138 {dimension_numbers = #tpu.dot_dimension_numbers<[1], [0], [0], [1], [0, 0, 1, 1], [], []>, transpose_lhs_hint = false} : vector<1024x128xbf16>, vector<128x512xbf16>, vector<1024x512xf32> -> vector<1024x512xf32>
    %add3A_140 = arith.addf %dot_general3A_134, %dot_general3A_139 : vector<1024x512xf32>
    %get3A_141 = arith.constant 0 : index
    %get3A_142 = arith.constant 0 : index
    %get3A_143 = vector.load %arg5[%get3A_141, %get3A_142] : memref<1x512xf32, #tpu.memory_space<vmem>>, vector<1x512xf32>
    %add3A_144 = vector.broadcast %get3A_143 : vector<1x512xf32> to vector<1024x512xf32>
    %add3A_145 = arith.addf %add3A_140, %add3A_144 : vector<1024x512xf32>
    %slice3A_146 = vector.extract_strided_slice %add3A_145 {offsets = [0, 0], sizes = [1024, 128], strides = [1, 1]} : vector<1024x512xf32> to vector<1024x128xf32>
    %logistic3A_147 = arith.negf %slice3A_146 : vector<1024x128xf32>
    %logistic3A_148 = math.exp %logistic3A_147 : vector<1024x128xf32>
    %logistic3A_149 = arith.constant 1.000000e+00 : f32
    %logistic3A_150 = vector.broadcast %logistic3A_149 : f32 to vector<1024x128xf32>
    %logistic3A_151 = arith.addf %logistic3A_150, %logistic3A_148 : vector<1024x128xf32>
    %logistic3A_152 = arith.divf %logistic3A_150, %logistic3A_151 : vector<1024x128xf32>
    %slice3A_153 = vector.extract_strided_slice %add3A_145 {offsets = [0, 128], sizes = [1024, 128], strides = [1, 1]} : vector<1024x512xf32> to vector<1024x128xf32>
    %logistic3A_154 = arith.negf %slice3A_153 : vector<1024x128xf32>
    %logistic3A_155 = math.exp %logistic3A_154 : vector<1024x128xf32>
    %logistic3A_156 = arith.constant 1.000000e+00 : f32
    %logistic3A_157 = vector.broadcast %logistic3A_156 : f32 to vector<1024x128xf32>
    %logistic3A_158 = arith.addf %logistic3A_157, %logistic3A_155 : vector<1024x128xf32>
    %logistic3A_159 = arith.divf %logistic3A_157, %logistic3A_158 : vector<1024x128xf32>
    %slice3A_160 = vector.extract_strided_slice %add3A_145 {offsets = [0, 256], sizes = [1024, 128], strides = [1, 1]} : vector<1024x512xf32> to vector<1024x128xf32>
    %tanh3A_161 = math.tanh %slice3A_160 : vector<1024x128xf32>
    %slice3A_162 = vector.extract_strided_slice %add3A_145 {offsets = [0, 384], sizes = [1024, 128], strides = [1, 1]} : vector<1024x512xf32> to vector<1024x128xf32>
    %logistic3A_163 = arith.negf %slice3A_162 : vector<1024x128xf32>
    %logistic3A_164 = math.exp %logistic3A_163 : vector<1024x128xf32>
    %logistic3A_165 = arith.constant 1.000000e+00 : f32
    %logistic3A_166 = vector.broadcast %logistic3A_165 : f32 to vector<1024x128xf32>
    %logistic3A_167 = arith.addf %logistic3A_166, %logistic3A_164 : vector<1024x128xf32>
    %logistic3A_168 = arith.divf %logistic3A_166, %logistic3A_167 : vector<1024x128xf32>
    %get3A_169 = arith.constant 0 : index
    %get3A_170 = arith.constant 0 : index
    %get3A_171 = vector.load %arg13[%get3A_169, %get3A_170] : memref<1024x128xf32, #tpu.memory_space<vmem>>, vector<1024x128xf32>
    %mul3A_172 = arith.mulf %logistic3A_159, %get3A_171 : vector<1024x128xf32>
    %mul3A_173 = arith.mulf %logistic3A_152, %tanh3A_161 : vector<1024x128xf32>
    %add3A_174 = arith.addf %mul3A_172, %mul3A_173 : vector<1024x128xf32>
    %tanh3A_175 = math.tanh %add3A_174 : vector<1024x128xf32>
    %mul3A_176 = arith.mulf %logistic3A_168, %tanh3A_175 : vector<1024x128xf32>
    %swap3A_177 = arith.constant 0 : index
    %swap3A_178 = arith.constant 0 : index
    %swap3A_179 = vector.load %arg12[%swap3A_177, %swap3A_178] : memref<1024x128xf32, #tpu.memory_space<vmem>>, vector<1024x128xf32>
    tpu.vector_store %arg12[%swap3A_177, %swap3A_178], %mul3A_176 {strides = array<i32>} : memref<1024x128xf32, #tpu.memory_space<vmem>>, vector<1024x128xf32>,
    %swap3A_180 = arith.constant 0 : index
    %swap3A_181 = arith.constant 0 : index
    %swap3A_182 = vector.load %arg13[%swap3A_180, %swap3A_181] : memref<1024x128xf32, #tpu.memory_space<vmem>>, vector<1024x128xf32>
    tpu.vector_store %arg13[%swap3A_180, %swap3A_181], %add3A_174 {strides = array<i32>} : memref<1024x128xf32, #tpu.memory_space<vmem>>, vector<1024x128xf32>,
    %get3A_183 = arith.constant 2 : index
    %get3A_184 = arith.constant 0 : index
    %get3A_185 = arith.constant 0 : index
    %get3A_186 = vector.load %arg2[%get3A_183, %get3A_184, %get3A_185] : memref<4x1024x128xf32, #tpu.memory_space<vmem>>, vector<1x1024x128xf32>
    %get3A_187 = vector.shape_cast %get3A_186 : vector<1x1024x128xf32> to vector<1024x128xf32>
    %convert_element_type3A_188 = arith.truncf %get3A_187 : vector<1024x128xf32> to vector<1024x128xbf16>
    %get3A_189 = arith.constant 0 : index
    %get3A_190 = arith.constant 0 : index
    %get3A_191 = vector.load %arg14[%get3A_189, %get3A_190] : memref<1024x128xf32, #tpu.memory_space<vmem>>, vector<1024x128xf32>
    %convert_element_type3A_192 = arith.truncf %get3A_191 : vector<1024x128xf32> to vector<1024x128xbf16>
    %get3A_193 = arith.constant 0 : index
    %get3A_194 = arith.constant 0 : index
    %get3A_195 = vector.load %arg6[%get3A_193, %get3A_194] : memref<128x512xbf16, #tpu.memory_space<vmem>>, vector<128x512xbf16>
    %dot_general3A_196 = arith.constant dense<0.000000e+00> : vector<1024x512xf32>
    %dot_general3A_197 = tpu.matmul %convert_element_type3A_188, %get3A_195, %dot_general3A_196 {dimension_numbers = #tpu.dot_dimension_numbers<[1], [0], [0], [1], [0, 0, 1, 1], [], []>, transpose_lhs_hint = false} : vector<1024x128xbf16>, vector<128x512xbf16>, vector<1024x512xf32> -> vector<1024x512xf32>
    %get3A_198 = arith.constant 0 : index
    %get3A_199 = arith.constant 0 : index
    %get3A_200 = vector.load %arg7[%get3A_198, %get3A_199] : memref<128x512xbf16, #tpu.memory_space<vmem>>, vector<128x512xbf16>
    %dot_general3A_201 = arith.constant dense<0.000000e+00> : vector<1024x512xf32>
    %dot_general3A_202 = tpu.matmul %convert_element_type3A_192, %get3A_200, %dot_general3A_201 {dimension_numbers = #tpu.dot_dimension_numbers<[1], [0], [0], [1], [0, 0, 1, 1], [], []>, transpose_lhs_hint = false} : vector<1024x128xbf16>, vector<128x512xbf16>, vector<1024x512xf32> -> vector<1024x512xf32>
    %add3A_203 = arith.addf %dot_general3A_197, %dot_general3A_202 : vector<1024x512xf32>
    %get3A_204 = arith.constant 0 : index
    %get3A_205 = arith.constant 0 : index
    %get3A_206 = vector.load %arg8[%get3A_204, %get3A_205] : memref<1x512xf32, #tpu.memory_space<vmem>>, vector<1x512xf32>
    %add3A_207 = vector.broadcast %get3A_206 : vector<1x512xf32> to vector<1024x512xf32>
    %add3A_208 = arith.addf %add3A_203, %add3A_207 : vector<1024x512xf32>
    %slice3A_209 = vector.extract_strided_slice %add3A_208 {offsets = [0, 0], sizes = [1024, 128], strides = [1, 1]} : vector<1024x512xf32> to vector<1024x128xf32>
    %logistic3A_210 = arith.negf %slice3A_209 : vector<1024x128xf32>
    %logistic3A_211 = math.exp %logistic3A_210 : vector<1024x128xf32>
    %logistic3A_212 = arith.constant 1.000000e+00 : f32
    %logistic3A_213 = vector.broadcast %logistic3A_212 : f32 to vector<1024x128xf32>
    %logistic3A_214 = arith.addf %logistic3A_213, %logistic3A_211 : vector<1024x128xf32>
    %logistic3A_215 = arith.divf %logistic3A_213, %logistic3A_214 : vector<1024x128xf32>
    %slice3A_216 = vector.extract_strided_slice %add3A_208 {offsets = [0, 128], sizes = [1024, 128], strides = [1, 1]} : vector<1024x512xf32> to vector<1024x128xf32>
    %logistic3A_217 = arith.negf %slice3A_216 : vector<1024x128xf32>
    %logistic3A_218 = math.exp %logistic3A_217 : vector<1024x128xf32>
    %logistic3A_219 = arith.constant 1.000000e+00 : f32
    %logistic3A_220 = vector.broadcast %logistic3A_219 : f32 to vector<1024x128xf32>
    %logistic3A_221 = arith.addf %logistic3A_220, %logistic3A_218 : vector<1024x128xf32>
    %logistic3A_222 = arith.divf %logistic3A_220, %logistic3A_221 : vector<1024x128xf32>
    %slice3A_223 = vector.extract_strided_slice %add3A_208 {offsets = [0, 256], sizes = [1024, 128], strides = [1, 1]} : vector<1024x512xf32> to vector<1024x128xf32>
    %tanh3A_224 = math.tanh %slice3A_223 : vector<1024x128xf32>
    %slice3A_225 = vector.extract_strided_slice %add3A_208 {offsets = [0, 384], sizes = [1024, 128], strides = [1, 1]} : vector<1024x512xf32> to vector<1024x128xf32>
    %logistic3A_226 = arith.negf %slice3A_225 : vector<1024x128xf32>
    %logistic3A_227 = math.exp %logistic3A_226 : vector<1024x128xf32>
    %logistic3A_228 = arith.constant 1.000000e+00 : f32
    %logistic3A_229 = vector.broadcast %logistic3A_228 : f32 to vector<1024x128xf32>
    %logistic3A_230 = arith.addf %logistic3A_229, %logistic3A_227 : vector<1024x128xf32>
    %logistic3A_231 = arith.divf %logistic3A_229, %logistic3A_230 : vector<1024x128xf32>
    %get3A_232 = arith.constant 0 : index
    %get3A_233 = arith.constant 0 : index
    %get3A_234 = vector.load %arg15[%get3A_232, %get3A_233] : memref<1024x128xf32, #tpu.memory_space<vmem>>, vector<1024x128xf32>
    %mul3A_235 = arith.mulf %logistic3A_222, %get3A_234 : vector<1024x128xf32>
    %mul3A_236 = arith.mulf %logistic3A_215, %tanh3A_224 : vector<1024x128xf32>
    %add3A_237 = arith.addf %mul3A_235, %mul3A_236 : vector<1024x128xf32>
    %tanh3A_238 = math.tanh %add3A_237 : vector<1024x128xf32>
    %mul3A_239 = arith.mulf %logistic3A_231, %tanh3A_238 : vector<1024x128xf32>
    %swap3A_240 = arith.constant 0 : index
    %swap3A_241 = arith.constant 0 : index
    %swap3A_242 = vector.load %arg14[%swap3A_240, %swap3A_241] : memref<1024x128xf32, #tpu.memory_space<vmem>>, vector<1024x128xf32>
    tpu.vector_store %arg14[%swap3A_240, %swap3A_241], %mul3A_239 {strides = array<i32>} : memref<1024x128xf32, #tpu.memory_space<vmem>>, vector<1024x128xf32>,
    %swap3A_243 = arith.constant 0 : index
    %swap3A_244 = arith.constant 0 : index
    %swap3A_245 = vector.load %arg15[%swap3A_243, %swap3A_244] : memref<1024x128xf32, #tpu.memory_space<vmem>>, vector<1024x128xf32>
    tpu.vector_store %arg15[%swap3A_243, %swap3A_244], %add3A_237 {strides = array<i32>} : memref<1024x128xf32, #tpu.memory_space<vmem>>, vector<1024x128xf32>,
    %get3A_246 = arith.constant 2 : index
    %get3A_247 = arith.constant 0 : index
    %get3A_248 = arith.constant 0 : index
    %get3A_249 = vector.load %arg1[%get3A_246, %get3A_247, %get3A_248] : memref<4x1024x128xf32, #tpu.memory_space<vmem>>, vector<1x1024x128xf32>
    %get3A_250 = vector.shape_cast %get3A_249 : vector<1x1024x128xf32> to vector<1024x128xf32>
    %convert_element_type3A_251 = arith.truncf %get3A_250 : vector<1024x128xf32> to vector<1024x128xbf16>
    %get3A_252 = arith.constant 0 : index
    %get3A_253 = arith.constant 0 : index
    %get3A_254 = vector.load %arg12[%get3A_252, %get3A_253] : memref<1024x128xf32, #tpu.memory_space<vmem>>, vector<1024x128xf32>
    %convert_element_type3A_255 = arith.truncf %get3A_254 : vector<1024x128xf32> to vector<1024x128xbf16>
    %get3A_256 = arith.constant 0 : index
    %get3A_257 = arith.constant 0 : index
    %get3A_258 = vector.load %arg3[%get3A_256, %get3A_257] : memref<128x512xbf16, #tpu.memory_space<vmem>>, vector<128x512xbf16>
    %dot_general3A_259 = arith.constant dense<0.000000e+00> : vector<1024x512xf32>
    %dot_general3A_260 = tpu.matmul %convert_element_type3A_251, %get3A_258, %dot_general3A_259 {dimension_numbers = #tpu.dot_dimension_numbers<[1], [0], [0], [1], [0, 0, 1, 1], [], []>, transpose_lhs_hint = false} : vector<1024x128xbf16>, vector<128x512xbf16>, vector<1024x512xf32> -> vector<1024x512xf32>
    %get3A_261 = arith.constant 0 : index
    %get3A_262 = arith.constant 0 : index
    %get3A_263 = vector.load %arg4[%get3A_261, %get3A_262] : memref<128x512xbf16, #tpu.memory_space<vmem>>, vector<128x512xbf16>
    %dot_general3A_264 = arith.constant dense<0.000000e+00> : vector<1024x512xf32>
    %dot_general3A_265 = tpu.matmul %convert_element_type3A_255, %get3A_263, %dot_general3A_264 {dimension_numbers = #tpu.dot_dimension_numbers<[1], [0], [0], [1], [0, 0, 1, 1], [], []>, transpose_lhs_hint = false} : vector<1024x128xbf16>, vector<128x512xbf16>, vector<1024x512xf32> -> vector<1024x512xf32>
    %add3A_266 = arith.addf %dot_general3A_260, %dot_general3A_265 : vector<1024x512xf32>
    %get3A_267 = arith.constant 0 : index
    %get3A_268 = arith.constant 0 : index
    %get3A_269 = vector.load %arg5[%get3A_267, %get3A_268] : memref<1x512xf32, #tpu.memory_space<vmem>>, vector<1x512xf32>
    %add3A_270 = vector.broadcast %get3A_269 : vector<1x512xf32> to vector<1024x512xf32>
    %add3A_271 = arith.addf %add3A_266, %add3A_270 : vector<1024x512xf32>
    %slice3A_272 = vector.extract_strided_slice %add3A_271 {offsets = [0, 0], sizes = [1024, 128], strides = [1, 1]} : vector<1024x512xf32> to vector<1024x128xf32>
    %logistic3A_273 = arith.negf %slice3A_272 : vector<1024x128xf32>
    %logistic3A_274 = math.exp %logistic3A_273 : vector<1024x128xf32>
    %logistic3A_275 = arith.constant 1.000000e+00 : f32
    %logistic3A_276 = vector.broadcast %logistic3A_275 : f32 to vector<1024x128xf32>
    %logistic3A_277 = arith.addf %logistic3A_276, %logistic3A_274 : vector<1024x128xf32>
    %logistic3A_278 = arith.divf %logistic3A_276, %logistic3A_277 : vector<1024x128xf32>
    %slice3A_279 = vector.extract_strided_slice %add3A_271 {offsets = [0, 128], sizes = [1024, 128], strides = [1, 1]} : vector<1024x512xf32> to vector<1024x128xf32>
    %logistic3A_280 = arith.negf %slice3A_279 : vector<1024x128xf32>
    %logistic3A_281 = math.exp %logistic3A_280 : vector<1024x128xf32>
    %logistic3A_282 = arith.constant 1.000000e+00 : f32
    %logistic3A_283 = vector.broadcast %logistic3A_282 : f32 to vector<1024x128xf32>
    %logistic3A_284 = arith.addf %logistic3A_283, %logistic3A_281 : vector<1024x128xf32>
    %logistic3A_285 = arith.divf %logistic3A_283, %logistic3A_284 : vector<1024x128xf32>
    %slice3A_286 = vector.extract_strided_slice %add3A_271 {offsets = [0, 256], sizes = [1024, 128], strides = [1, 1]} : vector<1024x512xf32> to vector<1024x128xf32>
    %tanh3A_287 = math.tanh %slice3A_286 : vector<1024x128xf32>
    %slice3A_288 = vector.extract_strided_slice %add3A_271 {offsets = [0, 384], sizes = [1024, 128], strides = [1, 1]} : vector<1024x512xf32> to vector<1024x128xf32>
    %logistic3A_289 = arith.negf %slice3A_288 : vector<1024x128xf32>
    %logistic3A_290 = math.exp %logistic3A_289 : vector<1024x128xf32>
    %logistic3A_291 = arith.constant 1.000000e+00 : f32
    %logistic3A_292 = vector.broadcast %logistic3A_291 : f32 to vector<1024x128xf32>
    %logistic3A_293 = arith.addf %logistic3A_292, %logistic3A_290 : vector<1024x128xf32>
    %logistic3A_294 = arith.divf %logistic3A_292, %logistic3A_293 : vector<1024x128xf32>
    %get3A_295 = arith.constant 0 : index
    %get3A_296 = arith.constant 0 : index
    %get3A_297 = vector.load %arg13[%get3A_295, %get3A_296] : memref<1024x128xf32, #tpu.memory_space<vmem>>, vector<1024x128xf32>
    %mul3A_298 = arith.mulf %logistic3A_285, %get3A_297 : vector<1024x128xf32>
    %mul3A_299 = arith.mulf %logistic3A_278, %tanh3A_287 : vector<1024x128xf32>
    %add3A_300 = arith.addf %mul3A_298, %mul3A_299 : vector<1024x128xf32>
    %tanh3A_301 = math.tanh %add3A_300 : vector<1024x128xf32>
    %mul3A_302 = arith.mulf %logistic3A_294, %tanh3A_301 : vector<1024x128xf32>
    %swap3A_303 = arith.constant 0 : index
    %swap3A_304 = arith.constant 0 : index
    %swap3A_305 = vector.load %arg12[%swap3A_303, %swap3A_304] : memref<1024x128xf32, #tpu.memory_space<vmem>>, vector<1024x128xf32>
    tpu.vector_store %arg12[%swap3A_303, %swap3A_304], %mul3A_302 {strides = array<i32>} : memref<1024x128xf32, #tpu.memory_space<vmem>>, vector<1024x128xf32>,
    %swap3A_306 = arith.constant 0 : index
    %swap3A_307 = arith.constant 0 : index
    %swap3A_308 = vector.load %arg13[%swap3A_306, %swap3A_307] : memref<1024x128xf32, #tpu.memory_space<vmem>>, vector<1024x128xf32>
    tpu.vector_store %arg13[%swap3A_306, %swap3A_307], %add3A_300 {strides = array<i32>} : memref<1024x128xf32, #tpu.memory_space<vmem>>, vector<1024x128xf32>,
    %get3A_309 = arith.constant 1 : index
    %get3A_310 = arith.constant 0 : index
    %get3A_311 = arith.constant 0 : index
    %get3A_312 = vector.load %arg2[%get3A_309, %get3A_310, %get3A_311] : memref<4x1024x128xf32, #tpu.memory_space<vmem>>, vector<1x1024x128xf32>
    %get3A_313 = vector.shape_cast %get3A_312 : vector<1x1024x128xf32> to vector<1024x128xf32>
    %convert_element_type3A_314 = arith.truncf %get3A_313 : vector<1024x128xf32> to vector<1024x128xbf16>
    %get3A_315 = arith.constant 0 : index
    %get3A_316 = arith.constant 0 : index
    %get3A_317 = vector.load %arg14[%get3A_315, %get3A_316] : memref<1024x128xf32, #tpu.memory_space<vmem>>, vector<1024x128xf32>
    %convert_element_type3A_318 = arith.truncf %get3A_317 : vector<1024x128xf32> to vector<1024x128xbf16>
    %get3A_319 = arith.constant 0 : index
    %get3A_320 = arith.constant 0 : index
    %get3A_321 = vector.load %arg6[%get3A_319, %get3A_320] : memref<128x512xbf16, #tpu.memory_space<vmem>>, vector<128x512xbf16>
    %dot_general3A_322 = arith.constant dense<0.000000e+00> : vector<1024x512xf32>
    %dot_general3A_323 = tpu.matmul %convert_element_type3A_314, %get3A_321, %dot_general3A_322 {dimension_numbers = #tpu.dot_dimension_numbers<[1], [0], [0], [1], [0, 0, 1, 1], [], []>, transpose_lhs_hint = false} : vector<1024x128xbf16>, vector<128x512xbf16>, vector<1024x512xf32> -> vector<1024x512xf32>
    %get3A_324 = arith.constant 0 : index
    %get3A_325 = arith.constant 0 : index
    %get3A_326 = vector.load %arg7[%get3A_324, %get3A_325] : memref<128x512xbf16, #tpu.memory_space<vmem>>, vector<128x512xbf16>
    %dot_general3A_327 = arith.constant dense<0.000000e+00> : vector<1024x512xf32>
    %dot_general3A_328 = tpu.matmul %convert_element_type3A_318, %get3A_326, %dot_general3A_327 {dimension_numbers = #tpu.dot_dimension_numbers<[1], [0], [0], [1], [0, 0, 1, 1], [], []>, transpose_lhs_hint = false} : vector<1024x128xbf16>, vector<128x512xbf16>, vector<1024x512xf32> -> vector<1024x512xf32>
    %add3A_329 = arith.addf %dot_general3A_323, %dot_general3A_328 : vector<1024x512xf32>
    %get3A_330 = arith.constant 0 : index
    %get3A_331 = arith.constant 0 : index
    %get3A_332 = vector.load %arg8[%get3A_330, %get3A_331] : memref<1x512xf32, #tpu.memory_space<vmem>>, vector<1x512xf32>
    %add3A_333 = vector.broadcast %get3A_332 : vector<1x512xf32> to vector<1024x512xf32>
    %add3A_334 = arith.addf %add3A_329, %add3A_333 : vector<1024x512xf32>
    %slice3A_335 = vector.extract_strided_slice %add3A_334 {offsets = [0, 0], sizes = [1024, 128], strides = [1, 1]} : vector<1024x512xf32> to vector<1024x128xf32>
    %logistic3A_336 = arith.negf %slice3A_335 : vector<1024x128xf32>
    %logistic3A_337 = math.exp %logistic3A_336 : vector<1024x128xf32>
    %logistic3A_338 = arith.constant 1.000000e+00 : f32
    %logistic3A_339 = vector.broadcast %logistic3A_338 : f32 to vector<1024x128xf32>
    %logistic3A_340 = arith.addf %logistic3A_339, %logistic3A_337 : vector<1024x128xf32>
    %logistic3A_341 = arith.divf %logistic3A_339, %logistic3A_340 : vector<1024x128xf32>
    %slice3A_342 = vector.extract_strided_slice %add3A_334 {offsets = [0, 128], sizes = [1024, 128], strides = [1, 1]} : vector<1024x512xf32> to vector<1024x128xf32>
    %logistic3A_343 = arith.negf %slice3A_342 : vector<1024x128xf32>
    %logistic3A_344 = math.exp %logistic3A_343 : vector<1024x128xf32>
    %logistic3A_345 = arith.constant 1.000000e+00 : f32
    %logistic3A_346 = vector.broadcast %logistic3A_345 : f32 to vector<1024x128xf32>
    %logistic3A_347 = arith.addf %logistic3A_346, %logistic3A_344 : vector<1024x128xf32>
    %logistic3A_348 = arith.divf %logistic3A_346, %logistic3A_347 : vector<1024x128xf32>
    %slice3A_349 = vector.extract_strided_slice %add3A_334 {offsets = [0, 256], sizes = [1024, 128], strides = [1, 1]} : vector<1024x512xf32> to vector<1024x128xf32>
    %tanh3A_350 = math.tanh %slice3A_349 : vector<1024x128xf32>
    %slice3A_351 = vector.extract_strided_slice %add3A_334 {offsets = [0, 384], sizes = [1024, 128], strides = [1, 1]} : vector<1024x512xf32> to vector<1024x128xf32>
    %logistic3A_352 = arith.negf %slice3A_351 : vector<1024x128xf32>
    %logistic3A_353 = math.exp %logistic3A_352 : vector<1024x128xf32>
    %logistic3A_354 = arith.constant 1.000000e+00 : f32
    %logistic3A_355 = vector.broadcast %logistic3A_354 : f32 to vector<1024x128xf32>
    %logistic3A_356 = arith.addf %logistic3A_355, %logistic3A_353 : vector<1024x128xf32>
    %logistic3A_357 = arith.divf %logistic3A_355, %logistic3A_356 : vector<1024x128xf32>
    %get3A_358 = arith.constant 0 : index
    %get3A_359 = arith.constant 0 : index
    %get3A_360 = vector.load %arg15[%get3A_358, %get3A_359] : memref<1024x128xf32, #tpu.memory_space<vmem>>, vector<1024x128xf32>
    %mul3A_361 = arith.mulf %logistic3A_348, %get3A_360 : vector<1024x128xf32>
    %mul3A_362 = arith.mulf %logistic3A_341, %tanh3A_350 : vector<1024x128xf32>
    %add3A_363 = arith.addf %mul3A_361, %mul3A_362 : vector<1024x128xf32>
    %tanh3A_364 = math.tanh %add3A_363 : vector<1024x128xf32>
    %mul3A_365 = arith.mulf %logistic3A_357, %tanh3A_364 : vector<1024x128xf32>
    %swap3A_366 = arith.constant 0 : index
    %swap3A_367 = arith.constant 0 : index
    %swap3A_368 = vector.load %arg14[%swap3A_366, %swap3A_367] : memref<1024x128xf32, #tpu.memory_space<vmem>>, vector<1024x128xf32>
    tpu.vector_store %arg14[%swap3A_366, %swap3A_367], %mul3A_365 {strides = array<i32>} : memref<1024x128xf32, #tpu.memory_space<vmem>>, vector<1024x128xf32>,
    %swap3A_369 = arith.constant 0 : index
    %swap3A_370 = arith.constant 0 : index
    %swap3A_371 = vector.load %arg15[%swap3A_369, %swap3A_370] : memref<1024x128xf32, #tpu.memory_space<vmem>>, vector<1024x128xf32>
    tpu.vector_store %arg15[%swap3A_369, %swap3A_370], %add3A_363 {strides = array<i32>} : memref<1024x128xf32, #tpu.memory_space<vmem>>, vector<1024x128xf32>,
    %get3A_372 = arith.constant 3 : index
    %get3A_373 = arith.constant 0 : index
    %get3A_374 = arith.constant 0 : index
    %get3A_375 = vector.load %arg1[%get3A_372, %get3A_373, %get3A_374] : memref<4x1024x128xf32, #tpu.memory_space<vmem>>, vector<1x1024x128xf32>
    %get3A_376 = vector.shape_cast %get3A_375 : vector<1x1024x128xf32> to vector<1024x128xf32>
    %convert_element_type3A_377 = arith.truncf %get3A_376 : vector<1024x128xf32> to vector<1024x128xbf16>
    %get3A_378 = arith.constant 0 : index
    %get3A_379 = arith.constant 0 : index
    %get3A_380 = vector.load %arg12[%get3A_378, %get3A_379] : memref<1024x128xf32, #tpu.memory_space<vmem>>, vector<1024x128xf32>
    %convert_element_type3A_381 = arith.truncf %get3A_380 : vector<1024x128xf32> to vector<1024x128xbf16>
    %get3A_382 = arith.constant 0 : index
    %get3A_383 = arith.constant 0 : index
    %get3A_384 = vector.load %arg3[%get3A_382, %get3A_383] : memref<128x512xbf16, #tpu.memory_space<vmem>>, vector<128x512xbf16>
    %dot_general3A_385 = arith.constant dense<0.000000e+00> : vector<1024x512xf32>
    %dot_general3A_386 = tpu.matmul %convert_element_type3A_377, %get3A_384, %dot_general3A_385 {dimension_numbers = #tpu.dot_dimension_numbers<[1], [0], [0], [1], [0, 0, 1, 1], [], []>, transpose_lhs_hint = false} : vector<1024x128xbf16>, vector<128x512xbf16>, vector<1024x512xf32> -> vector<1024x512xf32>
    %get3A_387 = arith.constant 0 : index
    %get3A_388 = arith.constant 0 : index
    %get3A_389 = vector.load %arg4[%get3A_387, %get3A_388] : memref<128x512xbf16, #tpu.memory_space<vmem>>, vector<128x512xbf16>
    %dot_general3A_390 = arith.constant dense<0.000000e+00> : vector<1024x512xf32>
    %dot_general3A_391 = tpu.matmul %convert_element_type3A_381, %get3A_389, %dot_general3A_390 {dimension_numbers = #tpu.dot_dimension_numbers<[1], [0], [0], [1], [0, 0, 1, 1], [], []>, transpose_lhs_hint = false} : vector<1024x128xbf16>, vector<128x512xbf16>, vector<1024x512xf32> -> vector<1024x512xf32>
    %add3A_392 = arith.addf %dot_general3A_386, %dot_general3A_391 : vector<1024x512xf32>
    %get3A_393 = arith.constant 0 : index
    %get3A_394 = arith.constant 0 : index
    %get3A_395 = vector.load %arg5[%get3A_393, %get3A_394] : memref<1x512xf32, #tpu.memory_space<vmem>>, vector<1x512xf32>
    %add3A_396 = vector.broadcast %get3A_395 : vector<1x512xf32> to vector<1024x512xf32>
    %add3A_397 = arith.addf %add3A_392, %add3A_396 : vector<1024x512xf32>
    %slice3A_398 = vector.extract_strided_slice %add3A_397 {offsets = [0, 0], sizes = [1024, 128], strides = [1, 1]} : vector<1024x512xf32> to vector<1024x128xf32>
    %logistic3A_399 = arith.negf %slice3A_398 : vector<1024x128xf32>
    %logistic3A_400 = math.exp %logistic3A_399 : vector<1024x128xf32>
    %logistic3A_401 = arith.constant 1.000000e+00 : f32
    %logistic3A_402 = vector.broadcast %logistic3A_401 : f32 to vector<1024x128xf32>
    %logistic3A_403 = arith.addf %logistic3A_402, %logistic3A_400 : vector<1024x128xf32>
    %logistic3A_404 = arith.divf %logistic3A_402, %logistic3A_403 : vector<1024x128xf32>
    %slice3A_405 = vector.extract_strided_slice %add3A_397 {offsets = [0, 128], sizes = [1024, 128], strides = [1, 1]} : vector<1024x512xf32> to vector<1024x128xf32>
    %logistic3A_406 = arith.negf %slice3A_405 : vector<1024x128xf32>
    %logistic3A_407 = math.exp %logistic3A_406 : vector<1024x128xf32>
    %logistic3A_408 = arith.constant 1.000000e+00 : f32
    %logistic3A_409 = vector.broadcast %logistic3A_408 : f32 to vector<1024x128xf32>
    %logistic3A_410 = arith.addf %logistic3A_409, %logistic3A_407 : vector<1024x128xf32>
    %logistic3A_411 = arith.divf %logistic3A_409, %logistic3A_410 : vector<1024x128xf32>
    %slice3A_412 = vector.extract_strided_slice %add3A_397 {offsets = [0, 256], sizes = [1024, 128], strides = [1, 1]} : vector<1024x512xf32> to vector<1024x128xf32>
    %tanh3A_413 = math.tanh %slice3A_412 : vector<1024x128xf32>
    %slice3A_414 = vector.extract_strided_slice %add3A_397 {offsets = [0, 384], sizes = [1024, 128], strides = [1, 1]} : vector<1024x512xf32> to vector<1024x128xf32>
    %logistic3A_415 = arith.negf %slice3A_414 : vector<1024x128xf32>
    %logistic3A_416 = math.exp %logistic3A_415 : vector<1024x128xf32>
    %logistic3A_417 = arith.constant 1.000000e+00 : f32
    %logistic3A_418 = vector.broadcast %logistic3A_417 : f32 to vector<1024x128xf32>
    %logistic3A_419 = arith.addf %logistic3A_418, %logistic3A_416 : vector<1024x128xf32>
    %logistic3A_420 = arith.divf %logistic3A_418, %logistic3A_419 : vector<1024x128xf32>
    %get3A_421 = arith.constant 0 : index
    %get3A_422 = arith.constant 0 : index
    %get3A_423 = vector.load %arg13[%get3A_421, %get3A_422] : memref<1024x128xf32, #tpu.memory_space<vmem>>, vector<1024x128xf32>
    %mul3A_424 = arith.mulf %logistic3A_411, %get3A_423 : vector<1024x128xf32>
    %mul3A_425 = arith.mulf %logistic3A_404, %tanh3A_413 : vector<1024x128xf32>
    %add3A_426 = arith.addf %mul3A_424, %mul3A_425 : vector<1024x128xf32>
    %tanh3A_427 = math.tanh %add3A_426 : vector<1024x128xf32>
    %mul3A_428 = arith.mulf %logistic3A_420, %tanh3A_427 : vector<1024x128xf32>
    %swap3A_429 = arith.constant 0 : index
    %swap3A_430 = arith.constant 0 : index
    %swap3A_431 = vector.load %arg12[%swap3A_429, %swap3A_430] : memref<1024x128xf32, #tpu.memory_space<vmem>>, vector<1024x128xf32>
    tpu.vector_store %arg12[%swap3A_429, %swap3A_430], %mul3A_428 {strides = array<i32>} : memref<1024x128xf32, #tpu.memory_space<vmem>>, vector<1024x128xf32>,
    %swap3A_432 = arith.constant 0 : index
    %swap3A_433 = arith.constant 0 : index
    %swap3A_434 = vector.load %arg13[%swap3A_432, %swap3A_433] : memref<1024x128xf32, #tpu.memory_space<vmem>>, vector<1024x128xf32>
    tpu.vector_store %arg13[%swap3A_432, %swap3A_433], %add3A_426 {strides = array<i32>} : memref<1024x128xf32, #tpu.memory_space<vmem>>, vector<1024x128xf32>,
    %get3A_435 = arith.constant 0 : index
    %get3A_436 = arith.constant 0 : index
    %get3A_437 = arith.constant 0 : index
    %get3A_438 = vector.load %arg2[%get3A_435, %get3A_436, %get3A_437] : memref<4x1024x128xf32, #tpu.memory_space<vmem>>, vector<1x1024x128xf32>
    %get3A_439 = vector.shape_cast %get3A_438 : vector<1x1024x128xf32> to vector<1024x128xf32>
    %convert_element_type3A_440 = arith.truncf %get3A_439 : vector<1024x128xf32> to vector<1024x128xbf16>
    %get3A_441 = arith.constant 0 : index
    %get3A_442 = arith.constant 0 : index
    %get3A_443 = vector.load %arg14[%get3A_441, %get3A_442] : memref<1024x128xf32, #tpu.memory_space<vmem>>, vector<1024x128xf32>
    %convert_element_type3A_444 = arith.truncf %get3A_443 : vector<1024x128xf32> to vector<1024x128xbf16>
    %get3A_445 = arith.constant 0 : index
    %get3A_446 = arith.constant 0 : index
    %get3A_447 = vector.load %arg6[%get3A_445, %get3A_446] : memref<128x512xbf16, #tpu.memory_space<vmem>>, vector<128x512xbf16>
    %dot_general3A_448 = arith.constant dense<0.000000e+00> : vector<1024x512xf32>
    %dot_general3A_449 = tpu.matmul %convert_element_type3A_440, %get3A_447, %dot_general3A_448 {dimension_numbers = #tpu.dot_dimension_numbers<[1], [0], [0], [1], [0, 0, 1, 1], [], []>, transpose_lhs_hint = false} : vector<1024x128xbf16>, vector<128x512xbf16>, vector<1024x512xf32> -> vector<1024x512xf32>
    %get3A_450 = arith.constant 0 : index
    %get3A_451 = arith.constant 0 : index
    %get3A_452 = vector.load %arg7[%get3A_450, %get3A_451] : memref<128x512xbf16, #tpu.memory_space<vmem>>, vector<128x512xbf16>
    %dot_general3A_453 = arith.constant dense<0.000000e+00> : vector<1024x512xf32>
    %dot_general3A_454 = tpu.matmul %convert_element_type3A_444, %get3A_452, %dot_general3A_453 {dimension_numbers = #tpu.dot_dimension_numbers<[1], [0], [0], [1], [0, 0, 1, 1], [], []>, transpose_lhs_hint = false} : vector<1024x128xbf16>, vector<128x512xbf16>, vector<1024x512xf32> -> vector<1024x512xf32>
    %add3A_455 = arith.addf %dot_general3A_449, %dot_general3A_454 : vector<1024x512xf32>
    %get3A_456 = arith.constant 0 : index
    %get3A_457 = arith.constant 0 : index
    %get3A_458 = vector.load %arg8[%get3A_456, %get3A_457] : memref<1x512xf32, #tpu.memory_space<vmem>>, vector<1x512xf32>
    %add3A_459 = vector.broadcast %get3A_458 : vector<1x512xf32> to vector<1024x512xf32>
    %add3A_460 = arith.addf %add3A_455, %add3A_459 : vector<1024x512xf32>
    %slice3A_461 = vector.extract_strided_slice %add3A_460 {offsets = [0, 0], sizes = [1024, 128], strides = [1, 1]} : vector<1024x512xf32> to vector<1024x128xf32>
    %logistic3A_462 = arith.negf %slice3A_461 : vector<1024x128xf32>
    %logistic3A_463 = math.exp %logistic3A_462 : vector<1024x128xf32>
    %logistic3A_464 = arith.constant 1.000000e+00 : f32
    %logistic3A_465 = vector.broadcast %logistic3A_464 : f32 to vector<1024x128xf32>
    %logistic3A_466 = arith.addf %logistic3A_465, %logistic3A_463 : vector<1024x128xf32>
    %logistic3A_467 = arith.divf %logistic3A_465, %logistic3A_466 : vector<1024x128xf32>
    %slice3A_468 = vector.extract_strided_slice %add3A_460 {offsets = [0, 128], sizes = [1024, 128], strides = [1, 1]} : vector<1024x512xf32> to vector<1024x128xf32>
    %logistic3A_469 = arith.negf %slice3A_468 : vector<1024x128xf32>
    %logistic3A_470 = math.exp %logistic3A_469 : vector<1024x128xf32>
    %logistic3A_471 = arith.constant 1.000000e+00 : f32
    %logistic3A_472 = vector.broadcast %logistic3A_471 : f32 to vector<1024x128xf32>
    %logistic3A_473 = arith.addf %logistic3A_472, %logistic3A_470 : vector<1024x128xf32>
    %logistic3A_474 = arith.divf %logistic3A_472, %logistic3A_473 : vector<1024x128xf32>
    %slice3A_475 = vector.extract_strided_slice %add3A_460 {offsets = [0, 256], sizes = [1024, 128], strides = [1, 1]} : vector<1024x512xf32> to vector<1024x128xf32>
    %tanh3A_476 = math.tanh %slice3A_475 : vector<1024x128xf32>
    %slice3A_477 = vector.extract_strided_slice %add3A_460 {offsets = [0, 384], sizes = [1024, 128], strides = [1, 1]} : vector<1024x512xf32> to vector<1024x128xf32>
    %logistic3A_478 = arith.negf %slice3A_477 : vector<1024x128xf32>
    %logistic3A_479 = math.exp %logistic3A_478 : vector<1024x128xf32>
    %logistic3A_480 = arith.constant 1.000000e+00 : f32
    %logistic3A_481 = vector.broadcast %logistic3A_480 : f32 to vector<1024x128xf32>
    %logistic3A_482 = arith.addf %logistic3A_481, %logistic3A_479 : vector<1024x128xf32>
    %logistic3A_483 = arith.divf %logistic3A_481, %logistic3A_482 : vector<1024x128xf32>
    %get3A_484 = arith.constant 0 : index
    %get3A_485 = arith.constant 0 : index
    %get3A_486 = vector.load %arg15[%get3A_484, %get3A_485] : memref<1024x128xf32, #tpu.memory_space<vmem>>, vector<1024x128xf32>
    %mul3A_487 = arith.mulf %logistic3A_474, %get3A_486 : vector<1024x128xf32>
    %mul3A_488 = arith.mulf %logistic3A_467, %tanh3A_476 : vector<1024x128xf32>
    %add3A_489 = arith.addf %mul3A_487, %mul3A_488 : vector<1024x128xf32>
    %tanh3A_490 = math.tanh %add3A_489 : vector<1024x128xf32>
    %mul3A_491 = arith.mulf %logistic3A_483, %tanh3A_490 : vector<1024x128xf32>
    %swap3A_492 = arith.constant 0 : index
    %swap3A_493 = arith.constant 0 : index
    %swap3A_494 = vector.load %arg14[%swap3A_492, %swap3A_493] : memref<1024x128xf32, #tpu.memory_space<vmem>>, vector<1024x128xf32>
    tpu.vector_store %arg14[%swap3A_492, %swap3A_493], %mul3A_491 {strides = array<i32>} : memref<1024x128xf32, #tpu.memory_space<vmem>>, vector<1024x128xf32>,
    %swap3A_495 = arith.constant 0 : index
    %swap3A_496 = arith.constant 0 : index
    %swap3A_497 = vector.load %arg15[%swap3A_495, %swap3A_496] : memref<1024x128xf32, #tpu.memory_space<vmem>>, vector<1024x128xf32>
    tpu.vector_store %arg15[%swap3A_495, %swap3A_496], %add3A_489 {strides = array<i32>} : memref<1024x128xf32, #tpu.memory_space<vmem>>, vector<1024x128xf32>,
    %eq3A_498 = arith.constant 8 : i32
    %eq3A_499 = arith.cmpi eq, %arg0, %eq3A_498 : i32
    %convert_element_type3A_500 = arith.extui %eq3A_499 : i1 to i32
    %cond3A_501 = arith.constant 0 : i32
    %cond3A_502 = arith.cmpi ne, %convert_element_type3A_500, %cond3A_501 : i32
    scf.if %cond3A_502 {
      %convert_element_type3A_503 = arith.truncf %mul3A_428 : vector<1024x128xf32> to vector<1024x128xbf16>
      %get3A_504 = arith.constant 0 : index
      %get3A_505 = arith.constant 0 : index
      %get3A_506 = vector.load %arg9[%get3A_504, %get3A_505] : memref<256x192xbf16, #tpu.memory_space<vmem>>, vector<128x192xbf16>
      %dot_general3A_507 = arith.constant dense<0.000000e+00> : vector<1024x192xf32>
      %dot_general3A_508 = tpu.matmul %convert_element_type3A_503, %get3A_506, %dot_general3A_507 {dimension_numbers = #tpu.dot_dimension_numbers<[1], [0], [0], [1], [0, 0, 1, 1], [], []>, transpose_lhs_hint = false} : vector<1024x128xbf16>, vector<128x192xbf16>, vector<1024x192xf32> -> vector<1024x192xf32>
      %convert_element_type3A_509 = arith.truncf %mul3A_491 : vector<1024x128xf32> to vector<1024x128xbf16>
      %get3A_510 = arith.constant 128 : index
      %get3A_511 = arith.constant 0 : index
      %get3A_512 = vector.load %arg9[%get3A_510, %get3A_511] : memref<256x192xbf16, #tpu.memory_space<vmem>>, vector<128x192xbf16>
      %dot_general3A_513 = arith.constant dense<0.000000e+00> : vector<1024x192xf32>
      %dot_general3A_514 = tpu.matmul %convert_element_type3A_509, %get3A_512, %dot_general3A_513 {dimension_numbers = #tpu.dot_dimension_numbers<[1], [0], [0], [1], [0, 0, 1, 1], [], []>, transpose_lhs_hint = false} : vector<1024x128xbf16>, vector<128x192xbf16>, vector<1024x192xf32> -> vector<1024x192xf32>
      %add3A_515 = arith.addf %dot_general3A_508, %dot_general3A_514 : vector<1024x192xf32>
      %get3A_516 = arith.constant 0 : index
      %get3A_517 = arith.constant 0 : index
      %get3A_518 = vector.load %arg10[%get3A_516, %get3A_517] : memref<1x192xf32, #tpu.memory_space<vmem>>, vector<1x192xf32>
      %add3A_519 = vector.broadcast %get3A_518 : vector<1x192xf32> to vector<1024x192xf32>
      %add3A_520 = arith.addf %add3A_515, %add3A_519 : vector<1024x192xf32>
      %gt3A = arith.constant 0.000000e+00 : f32
      %gt3A_521 = vector.broadcast %gt3A : f32 to vector<1024x192xf32>
      %gt3A_522 = arith.cmpf ogt, %add3A_520, %gt3A_521 : vector<1024x192xf32>
      %mul3A_523 = arith.constant 1.000000e-01 : f32
      %mul3A_524 = vector.broadcast %mul3A_523 : f32 to vector<1024x192xf32>
      %mul3A_525 = arith.mulf %mul3A_524, %add3A_520 : vector<1024x192xf32>
      %select_n3A = arith.select %gt3A_522, %add3A_520, %mul3A_525 : vector<1024x192xi1>, vector<1024x192xf32>
      %convert_element_type3A_526 = arith.truncf %select_n3A : vector<1024x192xf32> to vector<1024x192xbf16>
      %swap3A_527 = arith.constant 0 : index
      %swap3A_528 = arith.constant 0 : index
      %swap3A_529 = vector.load %arg11[%swap3A_527, %swap3A_528] : memref<1024x192xbf16, #tpu.memory_space<vmem>>, vector<1024x192xbf16>
      tpu.vector_store %arg11[%swap3A_527, %swap3A_528], %convert_element_type3A_526 {strides = array<i32>} : memref<1024x192xbf16, #tpu.memory_space<vmem>>, vector<1024x192xbf16>,
    } else {
    }
    return
  }
  func.func @transform_0(%arg0: i32) -> (i32, i32, i32) {
    %c0_i32 = arith.constant 0 : i32
    %c0_i32_0 = arith.constant 0 : i32
    %c0_i32_1 = arith.constant 0 : i32
    return %arg0, %c0_i32, %c0_i32_0 : i32, i32, i32
  }
  func.func @transform_1(%arg0: i32) -> (i32, i32, i32) {
    %sub3A = arith.constant 8 : i32
    %sub3A_0 = arith.subi %sub3A, %arg0 : i32
    %c0_i32 = arith.constant 0 : i32
    %c0_i32_1 = arith.constant 0 : i32
    %c0_i32_2 = arith.constant 0 : i32
    return %sub3A_0, %c0_i32, %c0_i32_1 : i32, i32, i32
  }
  func.func @transform_2(%arg0: i32) -> (i32, i32) {
    %c0_i32 = arith.constant 0 : i32
    %c0_i32_0 = arith.constant 0 : i32
    %c0_i32_1 = arith.constant 0 : i32
    return %c0_i32, %c0_i32_0 : i32, i32
  }
  func.func @transform_3(%arg0: i32) -> (i32, i32) {
    %c0_i32 = arith.constant 0 : i32
    %c0_i32_0 = arith.constant 0 : i32
    %c0_i32_1 = arith.constant 0 : i32
    return %c0_i32, %c0_i32_0 : i32, i32
  }
  func.func @transform_4(%arg0: i32) -> (i32, i32) {
    %c0_i32 = arith.constant 0 : i32
    %c0_i32_0 = arith.constant 0 : i32
    %c0_i32_1 = arith.constant 0 : i32
    return %c0_i32, %c0_i32_0 : i32, i32
  }
  func.func @transform_5(%arg0: i32) -> (i32, i32) {
    %c0_i32 = arith.constant 0 : i32
    %c0_i32_0 = arith.constant 0 : i32
    %c0_i32_1 = arith.constant 0 : i32
    return %c0_i32, %c0_i32_0 : i32, i32
  }
  func.func @transform_6(%arg0: i32) -> (i32, i32) {
    %c0_i32 = arith.constant 0 : i32
    %c0_i32_0 = arith.constant 0 : i32
    %c0_i32_1 = arith.constant 0 : i32
    return %c0_i32, %c0_i32_0 : i32, i32
  }
  func.func @transform_7(%arg0: i32) -> (i32, i32) {
    %c0_i32 = arith.constant 0 : i32
    %c0_i32_0 = arith.constant 0 : i32
    %c0_i32_1 = arith.constant 0 : i32
    return %c0_i32, %c0_i32_0 : i32, i32
  }
  func.func @transform_8(%arg0: i32) -> (i32, i32) {
    %c0_i32 = arith.constant 0 : i32
    %c0_i32_0 = arith.constant 0 : i32
    %c0_i32_1 = arith.constant 0 : i32
    return %c0_i32, %c0_i32_0 : i32, i32
  }
  func.func @transform_9(%arg0: i32) -> (i32, i32) {
    %c0_i32 = arith.constant 0 : i32
    %c0_i32_0 = arith.constant 0 : i32
    %c0_i32_1 = arith.constant 0 : i32
    return %c0_i32, %c0_i32_0 : i32, i32
  }
  func.func @transform_10(%arg0: i32) -> (i32, i32) {
    %c0_i32 = arith.constant 0 : i32
    %c0_i32_0 = arith.constant 0 : i32
    %c0_i32_1 = arith.constant 0 : i32
    return %c0_i32, %c0_i32_0 : i32, i32
  }
}

module attributes {stable_mosaic.version = 14 : i64} {
  func.func @_head_pass1_kernel(%arg0: i32, %arg1: memref<192x2048xf32, #tpu.memory_space<vmem>>, %arg2: memref<1x2048xf32, #tpu.memory_space<vmem>>, %arg3: memref<1x1024xbf16, #tpu.memory_space<vmem>>, %arg4: memref<192x1024xbf16, #tpu.memory_space<vmem>>, %arg5: memref<1x1024xf32, #tpu.memory_space<vmem>>, %arg6: memref<1x1024xf32, #tpu.memory_space<vmem>>, %arg7: memref<1x1024xf32, #tpu.memory_space<vmem>>, %arg8: memref<1x1024xf32, #tpu.memory_space<vmem>>) attributes {dimension_semantics = [#tpu.dimension_semantics<arbitrary>], iteration_bounds = array<i64: 49>, scalar_prefetch = 0 : i64, scratch_operands = 2 : i64, tpu.core_type = #tpu.core_type<tc>, window_params = [{transform_indices = @transform_0, window_bounds = array<i64: 192, 2048>}, {transform_indices = @transform_1, window_bounds = array<i64: 1, 2048>}, {pipeline_mode = #tpu.pipeline_mode<synchronous>, transform_indices = @transform_2, window_bounds = array<i64: 1, 1024>}, {pipeline_mode = #tpu.pipeline_mode<synchronous>, transform_indices = @transform_3, window_bounds = array<i64: 192, 1024>}, {pipeline_mode = #tpu.pipeline_mode<synchronous>, transform_indices = @transform_4, window_bounds = array<i64: 1, 1024>}, {pipeline_mode = #tpu.pipeline_mode<synchronous>, transform_indices = @transform_5, window_bounds = array<i64: 1, 1024>}]} {
    %get3A = arith.constant 0 : index
    %get3A_0 = arith.constant 0 : index
    %get3A_1 = vector.load %arg1[%get3A, %get3A_0] : memref<192x2048xf32, #tpu.memory_space<vmem>>, vector<192x2048xf32>
    %convert_element_type3A = arith.truncf %get3A_1 : vector<192x2048xf32> to vector<192x2048xbf16>
    %get3A_2 = arith.constant 0 : index
    %get3A_3 = arith.constant 0 : index
    %get3A_4 = vector.load %arg4[%get3A_2, %get3A_3] : memref<192x1024xbf16, #tpu.memory_space<vmem>>, vector<192x1024xbf16>
    %dot_general3A = arith.constant dense<0.000000e+00> : vector<2048x1024xf32>
    %dot_general3A_5 = tpu.matmul %convert_element_type3A, %get3A_4, %dot_general3A {dimension_numbers = #tpu.dot_dimension_numbers<[0], [0], [1], [1], [0, 1, 1, 1], [], []>, transpose_lhs_hint = false} : vector<192x2048xbf16>, vector<192x1024xbf16>, vector<2048x1024xf32> -> vector<2048x1024xf32>
    %get3A_6 = arith.constant 0 : index
    %get3A_7 = arith.constant 0 : index
    %get3A_8 = vector.load %arg2[%get3A_6, %get3A_7] : memref<1x2048xf32, #tpu.memory_space<vmem>>, vector<1x2048xf32>
    %convert_element_type3A_9 = arith.truncf %get3A_8 : vector<1x2048xf32> to vector<1x2048xbf16>
    %get3A_10 = arith.constant 0 : index
    %get3A_11 = arith.constant 0 : index
    %get3A_12 = vector.load %arg3[%get3A_10, %get3A_11] : memref<1x1024xbf16, #tpu.memory_space<vmem>>, vector<1x1024xbf16>
    %dot_general3A_13 = arith.constant dense<0.000000e+00> : vector<2048x1024xf32>
    %dot_general3A_14 = tpu.matmul %convert_element_type3A_9, %get3A_12, %dot_general3A_13 {dimension_numbers = #tpu.dot_dimension_numbers<[0], [0], [1], [1], [0, 1, 1, 1], [], []>, transpose_lhs_hint = false} : vector<1x2048xbf16>, vector<1x1024xbf16>, vector<2048x1024xf32> -> vector<2048x1024xf32>
    %add3A = arith.addf %dot_general3A_5, %dot_general3A_14 : vector<2048x1024xf32>
    %iota3A = tpu.iota {dimensions = array<i32: 0>} : vector<2048x1xi32>
    %mul3A = arith.constant 2048 : i32
    %mul3A_15 = arith.muli %arg0, %mul3A : i32
    %sub3A = arith.constant 100000 : i32
    %sub3A_16 = arith.subi %sub3A, %mul3A_15 : i32
    %lt3A = vector.broadcast %sub3A_16 : i32 to vector<2048x1xi32>
    %lt3A_17 = arith.cmpi slt, %iota3A, %lt3A : vector<2048x1xi32>
    %jit3A = arith.constant -1.000000e+30 : f32
    %broadcast_in_dim3A = vector.shape_cast %lt3A_17 : vector<2048x1xi1> to vector<2048x1xi1>
    %broadcast_in_dim3A_18 = vector.broadcast %broadcast_in_dim3A : vector<2048x1xi1> to vector<2048x1024xi1>
    %broadcast_in_dim3A_19 = vector.broadcast %jit3A : f32 to vector<2048x1024xf32>
    %select_n3A = arith.select %broadcast_in_dim3A_18, %add3A, %broadcast_in_dim3A_19 : vector<2048x1024xi1>, vector<2048x1024xf32>
    %reduce_max3A = arith.constant dense<0xFF800000> : vector<1024xf32>
    %reduce_max3A_20 = vector.multi_reduction <maximumf>, %select_n3A, %reduce_max3A [0] : vector<2048x1024xf32> to vector<1024xf32>
    %broadcast_in_dim3A_21 = vector.shape_cast %reduce_max3A_20 : vector<1024xf32> to vector<1x1024xf32>
    %eq3A = arith.constant 0 : i32
    %eq3A_22 = arith.cmpi eq, %arg0, %eq3A : i32
    %convert_element_type3A_23 = arith.extui %eq3A_22 : i1 to i32
    %cond3A = arith.constant 0 : i32
    %cond3A_24 = arith.cmpi ne, %convert_element_type3A_23, %cond3A : i32
    scf.if %cond3A_24 {
      %swap3A = arith.constant 0 : index
      %swap3A_34 = arith.constant 0 : index
      %swap3A_35 = vector.load %arg7[%swap3A, %swap3A_34] : memref<1x1024xf32, #tpu.memory_space<vmem>>, vector<1x1024xf32>
      tpu.vector_store %arg7[%swap3A, %swap3A_34], %broadcast_in_dim3A_21 {strides = array<i32>} : memref<1x1024xf32, #tpu.memory_space<vmem>>, vector<1x1024xf32>,
      %sub3A_36 = vector.broadcast %broadcast_in_dim3A_21 : vector<1x1024xf32> to vector<2048x1024xf32>
      %sub3A_37 = arith.subf %select_n3A, %sub3A_36 : vector<2048x1024xf32>
      %exp3A = math.exp %sub3A_37 : vector<2048x1024xf32>
      %reduce_sum3A = arith.constant dense<0.000000e+00> : vector<1024xf32>
      %reduce_sum3A_38 = vector.multi_reduction <add>, %exp3A, %reduce_sum3A [0] : vector<2048x1024xf32> to vector<1024xf32>
      %broadcast_in_dim3A_39 = vector.shape_cast %reduce_sum3A_38 : vector<1024xf32> to vector<1x1024xf32>
      %swap3A_40 = arith.constant 0 : index
      %swap3A_41 = arith.constant 0 : index
      %swap3A_42 = vector.load %arg8[%swap3A_40, %swap3A_41] : memref<1x1024xf32, #tpu.memory_space<vmem>>, vector<1x1024xf32>
      tpu.vector_store %arg8[%swap3A_40, %swap3A_41], %broadcast_in_dim3A_39 {strides = array<i32>} : memref<1x1024xf32, #tpu.memory_space<vmem>>, vector<1x1024xf32>,
    } else {
    }
    %gt3A = arith.constant 0 : i32
    %gt3A_25 = arith.cmpi sgt, %arg0, %gt3A : i32
    %convert_element_type3A_26 = arith.extui %gt3A_25 : i1 to i32
    %cond3A_27 = arith.constant 0 : i32
    %cond3A_28 = arith.cmpi ne, %convert_element_type3A_26, %cond3A_27 : i32
    scf.if %cond3A_28 {
      %get3A_34 = arith.constant 0 : index
      %get3A_35 = arith.constant 0 : index
      %get3A_36 = vector.load %arg7[%get3A_34, %get3A_35] : memref<1x1024xf32, #tpu.memory_space<vmem>>, vector<1x1024xf32>
      %max3A = arith.maximumf %get3A_36, %broadcast_in_dim3A_21 : vector<1x1024xf32>
      %get3A_37 = arith.constant 0 : index
      %get3A_38 = arith.constant 0 : index
      %get3A_39 = vector.load %arg8[%get3A_37, %get3A_38] : memref<1x1024xf32, #tpu.memory_space<vmem>>, vector<1x1024xf32>
      %sub3A_40 = arith.subf %get3A_36, %max3A : vector<1x1024xf32>
      %exp3A = math.exp %sub3A_40 : vector<1x1024xf32>
      %mul3A_41 = arith.mulf %get3A_39, %exp3A : vector<1x1024xf32>
      %sub3A_42 = vector.broadcast %max3A : vector<1x1024xf32> to vector<2048x1024xf32>
      %sub3A_43 = arith.subf %select_n3A, %sub3A_42 : vector<2048x1024xf32>
      %exp3A_44 = math.exp %sub3A_43 : vector<2048x1024xf32>
      %reduce_sum3A = arith.constant dense<0.000000e+00> : vector<1024xf32>
      %reduce_sum3A_45 = vector.multi_reduction <add>, %exp3A_44, %reduce_sum3A [0] : vector<2048x1024xf32> to vector<1024xf32>
      %broadcast_in_dim3A_46 = vector.shape_cast %reduce_sum3A_45 : vector<1024xf32> to vector<1x1024xf32>
      %add3A_47 = arith.addf %mul3A_41, %broadcast_in_dim3A_46 : vector<1x1024xf32>
      %swap3A = arith.constant 0 : index
      %swap3A_48 = arith.constant 0 : index
      %swap3A_49 = vector.load %arg8[%swap3A, %swap3A_48] : memref<1x1024xf32, #tpu.memory_space<vmem>>, vector<1x1024xf32>
      tpu.vector_store %arg8[%swap3A, %swap3A_48], %add3A_47 {strides = array<i32>} : memref<1x1024xf32, #tpu.memory_space<vmem>>, vector<1x1024xf32>,
      %swap3A_50 = arith.constant 0 : index
      %swap3A_51 = arith.constant 0 : index
      %swap3A_52 = vector.load %arg7[%swap3A_50, %swap3A_51] : memref<1x1024xf32, #tpu.memory_space<vmem>>, vector<1x1024xf32>
      tpu.vector_store %arg7[%swap3A_50, %swap3A_51], %max3A {strides = array<i32>} : memref<1x1024xf32, #tpu.memory_space<vmem>>, vector<1x1024xf32>,
    } else {
    }
    %eq3A_29 = arith.constant 48 : i32
    %eq3A_30 = arith.cmpi eq, %arg0, %eq3A_29 : i32
    %convert_element_type3A_31 = arith.extui %eq3A_30 : i1 to i32
    %cond3A_32 = arith.constant 0 : i32
    %cond3A_33 = arith.cmpi ne, %convert_element_type3A_31, %cond3A_32 : i32
    scf.if %cond3A_33 {
      %get3A_34 = arith.constant 0 : index
      %get3A_35 = arith.constant 0 : index
      %get3A_36 = vector.load %arg7[%get3A_34, %get3A_35] : memref<1x1024xf32, #tpu.memory_space<vmem>>, vector<1x1024xf32>
      %swap3A = arith.constant 0 : index
      %swap3A_37 = arith.constant 0 : index
      %swap3A_38 = vector.load %arg5[%swap3A, %swap3A_37] : memref<1x1024xf32, #tpu.memory_space<vmem>>, vector<1x1024xf32>
      tpu.vector_store %arg5[%swap3A, %swap3A_37], %get3A_36 {strides = array<i32>} : memref<1x1024xf32, #tpu.memory_space<vmem>>, vector<1x1024xf32>,
      %get3A_39 = arith.constant 0 : index
      %get3A_40 = arith.constant 0 : index
      %get3A_41 = vector.load %arg8[%get3A_39, %get3A_40] : memref<1x1024xf32, #tpu.memory_space<vmem>>, vector<1x1024xf32>
      %div3A = arith.constant 1.000000e+00 : f32
      %div3A_42 = vector.broadcast %div3A : f32 to vector<1x1024xf32>
      %div3A_43 = arith.divf %div3A_42, %get3A_41 : vector<1x1024xf32>
      %swap3A_44 = arith.constant 0 : index
      %swap3A_45 = arith.constant 0 : index
      %swap3A_46 = vector.load %arg6[%swap3A_44, %swap3A_45] : memref<1x1024xf32, #tpu.memory_space<vmem>>, vector<1x1024xf32>
      tpu.vector_store %arg6[%swap3A_44, %swap3A_45], %div3A_43 {strides = array<i32>} : memref<1x1024xf32, #tpu.memory_space<vmem>>, vector<1x1024xf32>,
    } else {
    }
    return
  }
  func.func @transform_0(%arg0: i32) -> (i32, i32) {
    %c0_i32 = arith.constant 0 : i32
    %c0_i32_0 = arith.constant 0 : i32
    return %c0_i32, %arg0 : i32, i32
  }
  func.func @transform_1(%arg0: i32) -> (i32, i32) {
    %c0_i32 = arith.constant 0 : i32
    %c0_i32_0 = arith.constant 0 : i32
    return %c0_i32, %arg0 : i32, i32
  }
  func.func @transform_2(%arg0: i32) -> (i32, i32) {
    %c0_i32 = arith.constant 0 : i32
    %c0_i32_0 = arith.constant 0 : i32
    %c0_i32_1 = arith.constant 0 : i32
    return %c0_i32, %c0_i32_0 : i32, i32
  }
  func.func @transform_3(%arg0: i32) -> (i32, i32) {
    %c0_i32 = arith.constant 0 : i32
    %c0_i32_0 = arith.constant 0 : i32
    %c0_i32_1 = arith.constant 0 : i32
    return %c0_i32, %c0_i32_0 : i32, i32
  }
  func.func @transform_4(%arg0: i32) -> (i32, i32) {
    %c0_i32 = arith.constant 0 : i32
    %c0_i32_0 = arith.constant 0 : i32
    %c0_i32_1 = arith.constant 0 : i32
    return %c0_i32, %c0_i32_0 : i32, i32
  }
  func.func @transform_5(%arg0: i32) -> (i32, i32) {
    %c0_i32 = arith.constant 0 : i32
    %c0_i32_0 = arith.constant 0 : i32
    %c0_i32_1 = arith.constant 0 : i32
    return %c0_i32, %c0_i32_0 : i32, i32
  }
}

module attributes {stable_mosaic.version = 14 : i64} {
  func.func @_head_pass2_kernel(%arg0: i32, %arg1: memref<192x2048xf32, #tpu.memory_space<vmem>>, %arg2: memref<1x2048xf32, #tpu.memory_space<vmem>>, %arg3: memref<1x1024xbf16, #tpu.memory_space<vmem>>, %arg4: memref<192x1024xbf16, #tpu.memory_space<vmem>>, %arg5: memref<1x1024xf32, #tpu.memory_space<vmem>>, %arg6: memref<1x1024xf32, #tpu.memory_space<vmem>>, %arg7: memref<2048x1024xf32, #tpu.memory_space<vmem>>) attributes {dimension_semantics = [#tpu.dimension_semantics<arbitrary>], iteration_bounds = array<i64: 49>, scalar_prefetch = 0 : i64, scratch_operands = 0 : i64, tpu.core_type = #tpu.core_type<tc>, window_params = [{transform_indices = @transform_0, window_bounds = array<i64: 192, 2048>}, {transform_indices = @transform_1, window_bounds = array<i64: 1, 2048>}, {pipeline_mode = #tpu.pipeline_mode<synchronous>, transform_indices = @transform_2, window_bounds = array<i64: 1, 1024>}, {pipeline_mode = #tpu.pipeline_mode<synchronous>, transform_indices = @transform_3, window_bounds = array<i64: 192, 1024>}, {pipeline_mode = #tpu.pipeline_mode<synchronous>, transform_indices = @transform_4, window_bounds = array<i64: 1, 1024>}, {pipeline_mode = #tpu.pipeline_mode<synchronous>, transform_indices = @transform_5, window_bounds = array<i64: 1, 1024>}, {transform_indices = @transform_6, window_bounds = array<i64: 2048, 1024>}]} {
    %get3A = arith.constant 0 : index
    %get3A_0 = arith.constant 0 : index
    %get3A_1 = vector.load %arg1[%get3A, %get3A_0] : memref<192x2048xf32, #tpu.memory_space<vmem>>, vector<192x2048xf32>
    %convert_element_type3A = arith.truncf %get3A_1 : vector<192x2048xf32> to vector<192x2048xbf16>
    %get3A_2 = arith.constant 0 : index
    %get3A_3 = arith.constant 0 : index
    %get3A_4 = vector.load %arg4[%get3A_2, %get3A_3] : memref<192x1024xbf16, #tpu.memory_space<vmem>>, vector<192x1024xbf16>
    %dot_general3A = arith.constant dense<0.000000e+00> : vector<2048x1024xf32>
    %dot_general3A_5 = tpu.matmul %convert_element_type3A, %get3A_4, %dot_general3A {dimension_numbers = #tpu.dot_dimension_numbers<[0], [0], [1], [1], [0, 1, 1, 1], [], []>, transpose_lhs_hint = false} : vector<192x2048xbf16>, vector<192x1024xbf16>, vector<2048x1024xf32> -> vector<2048x1024xf32>
    %get3A_6 = arith.constant 0 : index
    %get3A_7 = arith.constant 0 : index
    %get3A_8 = vector.load %arg2[%get3A_6, %get3A_7] : memref<1x2048xf32, #tpu.memory_space<vmem>>, vector<1x2048xf32>
    %convert_element_type3A_9 = arith.truncf %get3A_8 : vector<1x2048xf32> to vector<1x2048xbf16>
    %get3A_10 = arith.constant 0 : index
    %get3A_11 = arith.constant 0 : index
    %get3A_12 = vector.load %arg3[%get3A_10, %get3A_11] : memref<1x1024xbf16, #tpu.memory_space<vmem>>, vector<1x1024xbf16>
    %dot_general3A_13 = arith.constant dense<0.000000e+00> : vector<2048x1024xf32>
    %dot_general3A_14 = tpu.matmul %convert_element_type3A_9, %get3A_12, %dot_general3A_13 {dimension_numbers = #tpu.dot_dimension_numbers<[0], [0], [1], [1], [0, 1, 1, 1], [], []>, transpose_lhs_hint = false} : vector<1x2048xbf16>, vector<1x1024xbf16>, vector<2048x1024xf32> -> vector<2048x1024xf32>
    %add3A = arith.addf %dot_general3A_5, %dot_general3A_14 : vector<2048x1024xf32>
    %get3A_15 = arith.constant 0 : index
    %get3A_16 = arith.constant 0 : index
    %get3A_17 = vector.load %arg5[%get3A_15, %get3A_16] : memref<1x1024xf32, #tpu.memory_space<vmem>>, vector<1x1024xf32>
    %sub3A = vector.broadcast %get3A_17 : vector<1x1024xf32> to vector<2048x1024xf32>
    %sub3A_18 = arith.subf %add3A, %sub3A : vector<2048x1024xf32>
    %exp3A = math.exp %sub3A_18 : vector<2048x1024xf32>
    %get3A_19 = arith.constant 0 : index
    %get3A_20 = arith.constant 0 : index
    %get3A_21 = vector.load %arg6[%get3A_19, %get3A_20] : memref<1x1024xf32, #tpu.memory_space<vmem>>, vector<1x1024xf32>
    %mul3A = vector.broadcast %get3A_21 : vector<1x1024xf32> to vector<2048x1024xf32>
    %mul3A_22 = arith.mulf %exp3A, %mul3A : vector<2048x1024xf32>
    %swap3A = arith.constant 0 : index
    %swap3A_23 = arith.constant 0 : index
    %swap3A_24 = vector.load %arg7[%swap3A, %swap3A_23] : memref<2048x1024xf32, #tpu.memory_space<vmem>>, vector<2048x1024xf32>
    tpu.vector_store %arg7[%swap3A, %swap3A_23], %mul3A_22 {strides = array<i32>} : memref<2048x1024xf32, #tpu.memory_space<vmem>>, vector<2048x1024xf32>,
    return
  }
  func.func @transform_0(%arg0: i32) -> (i32, i32) {
    %c0_i32 = arith.constant 0 : i32
    %c0_i32_0 = arith.constant 0 : i32
    return %c0_i32, %arg0 : i32, i32
  }
  func.func @transform_1(%arg0: i32) -> (i32, i32) {
    %c0_i32 = arith.constant 0 : i32
    %c0_i32_0 = arith.constant 0 : i32
    return %c0_i32, %arg0 : i32, i32
  }
  func.func @transform_2(%arg0: i32) -> (i32, i32) {
    %c0_i32 = arith.constant 0 : i32
    %c0_i32_0 = arith.constant 0 : i32
    %c0_i32_1 = arith.constant 0 : i32
    return %c0_i32, %c0_i32_0 : i32, i32
  }
  func.func @transform_3(%arg0: i32) -> (i32, i32) {
    %c0_i32 = arith.constant 0 : i32
    %c0_i32_0 = arith.constant 0 : i32
    %c0_i32_1 = arith.constant 0 : i32
    return %c0_i32, %c0_i32_0 : i32, i32
  }
  func.func @transform_4(%arg0: i32) -> (i32, i32) {
    %c0_i32 = arith.constant 0 : i32
    %c0_i32_0 = arith.constant 0 : i32
    %c0_i32_1 = arith.constant 0 : i32
    return %c0_i32, %c0_i32_0 : i32, i32
  }
  func.func @transform_5(%arg0: i32) -> (i32, i32) {
    %c0_i32 = arith.constant 0 : i32
    %c0_i32_0 = arith.constant 0 : i32
    %c0_i32_1 = arith.constant 0 : i32
    return %c0_i32, %c0_i32_0 : i32, i32
  }
  func.func @transform_6(%arg0: i32) -> (i32, i32) {
    %c0_i32 = arith.constant 0 : i32
    %c0_i32_0 = arith.constant 0 : i32
    return %arg0, %c0_i32 : i32, i32
  }
}

</mosaic_0001>

<sc_bundles>
// kernel: kernel.6.cloned.1.call-start
scs
__scs_entry_jumppad:
0x0: {  	(pc) =	sbr.rel $0x88, $3  }
0x1: {  	(tag) =	ssettag $0x0;
	lr =	simm.s32 $0x1  }
0x2: {  	[smem:$0x3F95] =	sst lr;
	_ =	strace $0xD0000000  }
0x3: {  	_ = 	snop  }
0x4: {  	_ = 	snop  }
0x5: {  	_ = 	snop  }
0x6: {  	_ = 	snop  }
0x7: {  	_ = 	snop  }
__scs_overlays_trampoline_lowered:
0x8: {  	[smem:$0x3FA4] =	sst s0  }
0x9: {  	[smem:$0x3FA5] =	sst s1  }
0xa: {  	[smem:$0x3FA6] =	sst s2  }
0xb: {  	[smem:$0x3FA7] =	sst s3  }
0xc: {  	[smem:$0x3FA8] =	sst s4  }
0xd: {  	[smem:$0x3FA9] =	sst s5  }
0xe: {  	[smem:$0x3FAA] =	sst s6  }
0xf: {  	[smem:$0x3FAB] =	sst s7  }
0x10: {  	[smem:$0x3FAC] =	sst s8  }
0x11: {  	[smem:$0x3FAD] =	sst s9;
	s0 =	simm.s32 @!p0 $0x0  }
0x12: {  	s1 =	sld [smem:$0x3F93];
	s0 =	simm.s32 @p0 $0x1  }
0x13: {  	[smem:$0x3FAE] =	sst s0;
	s0 =	simm.s32 @!p1 $0x0  }
0x14: {  	s2 =	sld [smem:$0x3F92];
	s0 =	simm.s32 @p1 $0x1  }
0x15: {  	[smem:$0x3FAF] =	sst s0;
	s0 =	simm.s32 @!p2 $0x0  }
0x16: {  	s3 =	sld [smem:$0x3FDB];
	s0 =	simm.s32 @p2 $0x1  }
0x17: {  	s4 =	simm.s32 $0x1BF5;
	[smem:$0x3FB1] =	sst s0  }
0x18: {  	s0 =	sld [smem:$0x3F94];
	_ =	swait.ge [sflag:s4], $0x0  }
0x19: {  	s7 =	sld [smem:$0x3F95]  }
0x1a: {  	s8 =	sadd.s32 $0xFFFFE003, lr  }
0x1b: {  	s9 =	sadd.s32 $0xFFFFFEF7, lr;
	s5 =	simm.s32 $0xFFFFFFFF;
	p2 =	slt.u32 s8, $0xFFFFF086  }
0x1c: {  	p1 =	slt.u32 s9, $0xF7A;
	s5 =	simm.s32 @!p2 $0x0  }
0x1d: {  	s5 =	simm.s32 @p1 $0x1;
	p0 =	seq.s32 s7, s2  }
0x1e: {  	s7 =	smul.u32 @!p0 $0xF7A, s2;
	p2 =	seq.s32 @!p0 s5, $0x0  }
0x1f: {  	s9 =	smul.u32 $0xF7A, s1;
	s8 =	simm.s32 @!p0 $0x1BF5;
	p2 =	por !p2, p0  }
0x20: {  	[sflag:s8] =	ssyncset.s32 @!p0 $0xFFFFF086;
	s6 =	sadd.s32 @!p0 s3, s7;
	s7 =	simm.s32 @!p0 $0x108  }
0x21: {  	s3 =	sadd.s32 s3, s9;
	s6 =	sadd.s32 @!p0 $0x88, s6;
	s7 =	simm.s32 @p2 $0x1082  }
0x22: {  	[simem:s7], [sflag:s8] =	dma.local @!p0 [hbm:s6], $0xF7A  }
0x23: {  	s9 =	sor.u32 $0xD0000000, s2;
	s6 =	simm.s32 $0x108;
	_ =	swait.ge @!p0 [sflag:s8], $0x0  }
0x24: {  	s3 =	sadd.s32 $0x88, s3;
	s6 =	simm.s32 @!p1 $0x1082;
	[sflag:s4] =	ssyncset.s32 $0xFFFFF086  }
0x25: {  	[simem:s6], [sflag:s4] =	dma.local [hbm:s3], $0xF7A  }
0x26: {  	[smem:$0x3F95] =	sst s1;
	(tag) =	ssettag s2;
	_ =	strace s9  }
0x27: {  	s1 =	sld [smem:$0x3FA5]  }
0x28: {  	s2 =	sld [smem:$0x3FA6]  }
0x29: {  	s4 =	sld [smem:$0x3FA8]  }
0x2a: {  	p0 =	seq.s32 s5, $0x0;
	s5 =	sld [smem:$0x3FA9]  }
0x2b: {  	s6 =	sld [smem:$0x3FAA]  }
0x2c: {  	s7 =	sld [smem:$0x3FAB]  }
0x2d: {  	s3 =	simm.s32 $0x108;
	s8 =	sld [smem:$0x3FAC]  }
0x2e: {  	s3 =	simm.s32 @!p0 $0x1082;
	s9 =	sld [smem:$0x3FAD]  }
0x2f: {  	lr =	sadd.s32 s0, s3;
	s0 =	sld [smem:$0x3FA4]  }
0x30: {  	s3 =	sld [smem:$0x3FA7]  }
0x31: {  	[smem:$0x3FB0] =	sst s10  }
0x32: {  	s10 =	sld [smem:$0x3FAE];
	_ =	sdelay $0x3  }
0x33: {  	p0 =	seq.s32 s10, $0x1;
	s10 =	sld [smem:$0x3FB0];
	_ =	sdelay $0x3  }
0x34: {  	[smem:$0x3FB0] =	sst s10  }
0x35: {  	s10 =	sld [smem:$0x3FAF];
	_ =	sdelay $0x3  }
0x36: {  	p1 =	seq.s32 s10, $0x1;
	s10 =	sld [smem:$0x3FB0];
	_ =	sdelay $0x3  }
0x37: {  	[smem:$0x3FB0] =	sst s10  }
0x38: {  	s10 =	sld [smem:$0x3FB1]  }
0x39: {  	_ = 	snop;
	(pc) =	sbr.ind lr, $3  }
0x3a: {  	_ = 	snop  }
0x3b: {  	_ = 	snop  }
0x3c: {  	p2 =	seq.s32 s10, $0x1;
	s10 =	sld [smem:$0x3FB0]  }
0x3d: {  	_ =	shalt  }
0x3e: {  	_ =	shalt  }
0x3f: {  	_ =	shalt  }
0x40: {  	_ =	shalt  }
0x41: {  	_ =	shalt  }
0x42: {  	_ =	shalt  }
0x43: {  	_ =	shalt  }
0x44: {  	_ =	shalt  }
0x45: {  	_ =	shalt  }
0x46: {  	_ =	shalt  }
0x47: {  	_ =	shalt  }
0x48: {  	_ =	shalt  }
0x49: {  	_ =	shalt  }
0x4a: {  	_ =	shalt  }
0x4b: {  	_ =	shalt  }
0x4c: {  	_ =	shalt  }
0x4d: {  	_ =	shalt  }
0x4e: {  	_ =	shalt  }
0x4f: {  	_ =	shalt  }
0x50: {  	_ =	shalt  }
0x51: {  	_ =	shalt  }
0x52: {  	_ =	shalt  }
0x53: {  	_ =	shalt  }
0x54: {  	_ =	shalt  }
0x55: {  	_ =	shalt  }
0x56: {  	_ =	shalt  }
0x57: {  	_ =	shalt  }
0x58: {  	_ =	shalt  }
0x59: {  	_ =	shalt  }
0x5a: {  	_ =	shalt  }
0x5b: {  	_ =	shalt  }
0x5c: {  	_ =	shalt  }
0x5d: {  	_ =	shalt  }
0x5e: {  	_ =	shalt  }
0x5f: {  	_ =	shalt  }
0x60: {  	_ =	shalt  }
0x61: {  	_ =	shalt  }
0x62: {  	_ =	shalt  }
0x63: {  	_ =	shalt  }
0x64: {  	_ =	shalt  }
0x65: {  	_ =	shalt  }
0x66: {  	_ =	shalt  }
0x67: {  	_ =	shalt  }
0x68: {  	_ =	shalt  }
0x69: {  	_ =	shalt  }
0x6a: {  	_ =	shalt  }
0x6b: {  	_ =	shalt  }
0x6c: {  	_ =	shalt  }
0x6d: {  	_ =	shalt  }
0x6e: {  	_ =	shalt  }
0x6f: {  	_ =	shalt  }
0x70: {  	_ =	shalt  }
0x71: {  	_ =	shalt  }
0x72: {  	_ =	shalt  }
0x73: {  	_ =	shalt  }
0x74: {  	_ =	shalt  }
0x75: {  	_ =	shalt  }
0x76: {  	_ =	shalt  }
0x77: {  	_ =	shalt  }
0x78: {  	_ =	shalt  }
0x79: {  	_ =	shalt  }
0x7a: {  	_ =	shalt  }
0x7b: {  	_ =	shalt  }
0x7c: {  	_ =	shalt  }
0x7d: {  	_ =	shalt  }
0x7e: {  	_ =	shalt  }
0x7f: {  	_ =	shalt  }
0x80: {  	_ =	shalt  }
0x81: {  	_ =	shalt  }
0x82: {  	_ =	shalt  }
0x83: {  	_ =	shalt  }
0x84: {  	_ =	shalt  }
0x85: {  	_ =	shalt  }
0x86: {  	_ =	shalt  }
0x87: {  	_ =	shalt  }
.Lfunc_end0:
.L_simem_size_0:
called_computation_lowered:
.L_overlay_start_0:
0x88: {  	s2 =	sld [smem:$0x3FD9]  }
0x89: {  	s3 =	sld [smem:$0x3FFE];
	_ =	sdelay $0x1  }
0x8a: {  	s1 =	srdreg.scid  }
0x8b: {  	s0 =	sand.u32 $0x1, s1  }
0x8c: {  	s17 =	sshll.u32 s0, $0xA;
	s2 =	sadd.s32 s3, s2  }
0x8d: {  	s2 =	sadd.s32 s2, s17  }
0x8e: {  	[smem:$0x3FBC] =	sst s2  }
0x8f: {  	_ = 	snop  }
0x90: {  	s2 =	sld [smem:$0x3FC8]  }
0x91: {  	s18 =	sld [smem:$0x3FD0];
	(tm) =	ssettm $0x1  }
0x92: {  	s4 =	sld [smem:$0x3FFB];
	_ =	sdelay $0x3  }
0x93: {  	_ =	strace s4  }
0x94: {  	s4 =	sld [smem:$0x3FFC];
	_ =	sdelay $0x3  }
0x95: {  	_ =	strace s4  }
0x96: {  	s4 =	sld [smem:$0x3FFD];
	_ =	sdelay $0x3  }
0x97: {  	_ =	strace s4  }
0x98: {  	_ =	strace $0x8FFFFFFF  }
0x99: {  	s19 =	sld [smem:$0x3FDB];
	_ =	sdelay $0x1  }
0x9a: {  	s5 =	simm.s32 $_scs_section_size  }
0x9b: {  	s6 =	simm.s32 $_size__tile_overlayer_lowered;
	s7 =	simm.s32 $_tile_overlayer_lowered  }
0x9c: {  	s22 =	simm.s32 $0x1BFF;
	s21 =	sshll.u32 s7, $0x1;
	s4 =	sadd.s32 s5, s19  }
0x9d: {  	s8 =	simm.s32 $0x0;
	s20 =	sshll.u32 s6, $0x1;
	s6 =	sadd.s32 s21, s4  }
0x9e: {  	[timem:s8], [sflag:s22] =	dma.local [hbm:s6], s20  }
0x9f: {  	_ =	swait.ge [sflag:s22], s20  }
0xa0: {  	s5 =	ssub.s32 $0x0, s20;
	[sflag:s22] =	ssyncset.done $0x0  }
0xa1: {  	[sflag:s22] =	ssyncadd.s32 s5;
	_ =	sdelay $0x1  }
0xa2: {  	s23 =	simm.s32 $0x1B8B  }
0xa3: {  	_ =	swait.ge [sflag:s23], $0x1  }
0xa4: {  	[sflag:s23] =	ssyncset.done $0x0  }
0xa5: {  	s25 =	simm.s32 $0x1B8E;
	s24 =	sld [smem:$0x3FFE];
	[sflag:s23] =	ssyncadd.s32 $0xFFFFFFFF  }
0xa6: {  	s26 =	simm.s32 $execute0_lowered;
	[smem:$0x3FD2] =	sst s25  }
0xa7: {  	s6 =	sshll.u32 s26, $0x1;
	_ =	strace $0x80000046;
	[dreg:$0x1] =	wrdreg $0xFFFFFFFF  }
0xa8: {  	s28 =	simm.s32 $_size_execute0_lowered;
	s4 =	sadd.s32 s4, s6;
	[dreg:$0x0] =	wrdreg $0x0  }
0xa9: {  	s6 =	sshll.u32 s28, $0x1;
	[dreg:$0x2] =	wrdreg s4  }
0xaa: {  	[dreg:$0x3] =	wrdreg s6  }
0xab: {  	[dreg:$0x4] =	wrdreg $0xC0  }
0xac: {  	_ =	task [dreg:s8], $0x5FFFF  }
0xad: {  	[dreg:$0x1] =	wrdreg $0xFFFFFFFF  }
0xae: {  	[dreg:$0x0] =	wrdreg $0x60  }
0xaf: {  	[dreg:$0x2] =	wrdreg s2  }
0xb0: {  	[dreg:$0x3] =	wrdreg s24  }
0xb1: {  	[dreg:$0x4] =	wrdreg s18  }
0xb2: {  	[dreg:$0x5] =	wrdreg $0x9  }
0xb3: {  	_ =	task.clear_ibuf [dreg:s8], $0x6FFFF;
	_ =	strace $0x90000046  }
0xb4: {  	s29 =	simm.s32 $0x9;
	_ =	strace $0x80000048  }
0xb5: {  	_ =	swait.ge [sflag:s29], $0x1  }
0xb6: {  	[sflag:s29] =	ssyncadd.s32 $0xFFFFFFFF  }
0xb7: {  	_ =	strace $0x90000048  }
0xb8: {  	_ =	sfence  }
0xb9: {  	s30 =	sld [smem:$0x0];
	_ =	sdelay $0x2  }
0xba: {  	s31 =	sshll.u32 s1, $0xD;
	s1 =	sshrl.u32 s1, $0x2  }
0xbb: {  	s3 =	sand.u32 $0x4000, s31;
	s1 =	sadd.s32 s1, s30  }
0xbc: {  	s0 =	sor.u32 s3, s0;
	s1 =	sshll.u32 s1, $0x11  }
0xbd: {  	s0 =	sor.u32 s1, s0  }
0xbe: {  	s0 =	sadd.s32 $0x8F2B, s0  }
0xbf: {  	[sflag:s0] =	ssyncadd.remote.s32 $0x1  }
0xc0: {  	_ =	sfence.sel $0xFFFF  }
0xc1: {  	[dreg:$0x0] =	wrdreg $0xFFFFFFFF;
	(pc) =	sbr.abs _section_cstart, $3  }
0xc2: {  	[dreg:$0x1] =	wrdreg $0xFFFFFFFF  }
0xc3: {  	_ =	task.clear_ibuf [dreg:s8], $0x2FFFF;
	_ =	strace $0x9FFFFFFF  }
0xc4: {  	(tm) =	ssettm $0x7FFFFFFF  }
0xc5: {  	_ =	shalt  }
tec
execute0_lowered:
.L_overlay_start_1:
0x0: {  	(tag) =	ssettag $0x1  }
0x1: {  	s1 =	srdreg.scid;
	s0 =	stileid.u32  }
0x2: {  	s2 =	rddreg [dreg:$0x0];
	s14 =	sand.u32 $0x1, s1;
	s30 =	sshll.u32 s0, $0x1  }
0x3: {  	s4 =	rddreg [dreg:$0x1];
	s11 =	sor.u32 s14, s30  }
0x4: {  	s13 =	rddreg [dreg:$0x2];
	s5 =	smul.u32 $0x90, s11  }
0x5: {  	s3 =	simm.s32 $0x0;
	s1 =	rddreg [dreg:$0x3]  }
0x6: {  	[smem:$0x7FF] =	sst s3;
	s4 =	sadd.s32 s5, s4  }
0x7: {  	_ =	strace $0x80000047;
	s5 =	sadd.s32 $0x1A00, s4;
	s4 =	simm.s32 $0x3  }
0x8: {  	[tilespmem:s3], [sflag:$0x3] =	stream.linear.gather [hbm4b:s5+s3], $0x480, $0x38;
	[tilespmem:$0x18480] =	vst v63  }
0x9: {  	_ =	swait.ge [sflag:s4], $0x480  }
0xa: {  	[sflag:s4] =	ssyncset.done $0x0  }
0xb: {  	s6 =	simm.s32 $0x180;
	s7 =	simm.s32 $0x480;
	[sflag:s4] =	ssyncadd.s32 $0xFFFFFB80  }
0xc: {  	[tilespmem:s7], [sflag:$0x1] =	stream.indirect.gather [hbm4b:s2+s6], $0x80, s3, s6, $0xb8;
	[tilespmem:$0x18480] =	vst v63  }
0xd: {  	s8 =	simm.s32 $0xC480;
	s9 =	simm.s32 $0x1  }
0xe: {  	[tilespmem:s8], [sflag:$0x2] =	stream.indirect.gather [hbm4b:s2+s6], $0x80, s6, s6, $0xb8;
	[tilespmem:$0x18480] =	vst v63  }
0xf: {  	s10 =	smul.u32 $0x4800, s11;
	_ =	swait.ge [sflag:s9], $0xC000  }
0x10: {  	[sflag:s9] =	ssyncset.done $0x0  }
0x11: {  	s10 =	sadd.s32 s13, s10;
	[sflag:s9] =	ssyncadd.s32 $0xFFFF4000  }
0x12: {  	[hbm4b:s10+s3] =	stream.linear.scatter [tilespmem:s7], [sflag:$0x3], $0xC000, $0x38;
	[tilespmem:$0x18480] =	vst v63  }
0x13: {  	_ =	swait.ge [sflag:s4], $0xC000  }
0x14: {  	s12 =	simm.s32 $0x2;
	[sflag:s4] =	ssyncset.done $0x0  }
0x15: {  	s15 =	smul.u32 $0x24000, s11;
	s11 =	simm.s32 $0x300;
	[sflag:s4] =	ssyncadd.s32 $0xFFFF4000  }
0x16: {  	[tilespmem:s7], [sflag:$0x1] =	stream.indirect.gather [hbm4b:s2+s6], $0x80, s11, s6, $0xb8;
	[tilespmem:$0x18480] =	vst v63  }
0x17: {  	s15 =	sshrl.u32 s15, $0x3;
	_ =	swait.ge [sflag:s12], $0xC000  }
0x18: {  	s15 =	sadd.s32 s13, s15;
	[sflag:s12] =	ssyncset.done $0x0  }
0x19: {  	s14 =	ssub.s32 $0x2, s14;
	s13 =	sadd.s32 $0x1800, s15;
	[sflag:s12] =	ssyncadd.s32 $0xFFFF4000  }
0x1a: {  	[hbm4b:s13+s3] =	stream.linear.scatter [tilespmem:s8], [sflag:$0x3], $0xC000, $0x38;
	[tilespmem:$0x18480] =	vst v63  }
0x1b: {  	s16 =	sshrl.u32 s14, $0x1;
	_ =	swait.ge [sflag:s4], $0xC000  }
0x1c: {  	s16 =	ssub.s32 s14, s16;
	[sflag:s4] =	ssyncset.done $0x0  }
0x1d: {  	s31 =	smax.u32 s16, $0x1;
	[sflag:s4] =	ssyncadd.s32 $0xFFFF4000  }
0x1e: {  	p0 =	sne.s32 s31, $0x1;
	_ =	swait.ge [sflag:s9], $0xC000  }
.Ltmp0:
0x1f: {  	[sflag:s9] =	ssyncset.done $0x0;
	(pc) =	sbr.rel @!p0 .LBB2_2-.Ltmp0, $4  }
0x20: {  	s14 =	sadd.s32 $0x3000, s15;
	[sflag:s9] =	ssyncadd.s32 $0xFFFF4000  }
0x21: {  	[hbm4b:s14+s3] =	stream.linear.scatter [tilespmem:s7], [sflag:$0x3], $0xC000, $0x38;
	[tilespmem:$0x18480] =	vst v63  }
0x22: {  	_ =	swait.ge [sflag:s4], $0xC000  }
0x23: {  	s15 =	sadd.s32 $0xFFFFFFFF, s31;
	[sflag:s4] =	ssyncset.done $0x0  }
.LBB2_1:
0x24: {  	p0 =	sne.s32 s15, $0x1;
	s15 =	sadd.s32 $0xFFFFFFFF, s15;
	[sflag:s4] =	ssyncadd.s32 $0xFFFF4000  }
0x25: {  	[tilespmem:s3], [sflag:$0x3] =	stream.linear.gather [hbm4b:s5+s3], $0x480, $0x38;
	[tilespmem:$0x18480] =	vst v63  }
0x26: {  	_ =	swait.ge [sflag:s4], $0x480  }
0x27: {  	[sflag:s4] =	ssyncset.done $0x0  }
0x28: {  	[sflag:s4] =	ssyncadd.s32 $0xFFFFFB80  }
0x29: {  	[tilespmem:s7], [sflag:$0x1] =	stream.indirect.gather [hbm4b:s2+s6], $0x80, s3, s6, $0xb8;
	[tilespmem:$0x18480] =	vst v63  }
0x2a: {  	_ = 	snop  }
0x2b: {  	[tilespmem:s8], [sflag:$0x2] =	stream.indirect.gather [hbm4b:s2+s6], $0x80, s6, s6, $0xb8;
	[tilespmem:$0x18480] =	vst v63  }
0x2c: {  	_ =	swait.ge [sflag:s9], $0xC000  }
0x2d: {  	[sflag:s9] =	ssyncset.done $0x0  }
0x2e: {  	[sflag:s9] =	ssyncadd.s32 $0xFFFF4000  }
0x2f: {  	[hbm4b:s10+s3] =	stream.linear.scatter [tilespmem:s7], [sflag:$0x3], $0xC000, $0x38;
	[tilespmem:$0x18480] =	vst v63  }
0x30: {  	_ =	swait.ge [sflag:s4], $0xC000  }
0x31: {  	[sflag:s4] =	ssyncset.done $0x0  }
0x32: {  	[sflag:s4] =	ssyncadd.s32 $0xFFFF4000  }
0x33: {  	[tilespmem:s7], [sflag:$0x1] =	stream.indirect.gather [hbm4b:s2+s6], $0x80, s11, s6, $0xb8;
	[tilespmem:$0x18480] =	vst v63  }
0x34: {  	_ =	swait.ge [sflag:s12], $0xC000  }
0x35: {  	[sflag:s12] =	ssyncset.done $0x0  }
0x36: {  	[sflag:s12] =	ssyncadd.s32 $0xFFFF4000  }
0x37: {  	[hbm4b:s13+s3] =	stream.linear.scatter [tilespmem:s8], [sflag:$0x3], $0xC000, $0x38;
	[tilespmem:$0x18480] =	vst v63  }
0x38: {  	_ =	swait.ge [sflag:s4], $0xC000  }
0x39: {  	[sflag:s4] =	ssyncset.done $0x0  }
0x3a: {  	[sflag:s4] =	ssyncadd.s32 $0xFFFF4000  }
0x3b: {  	_ =	swait.ge [sflag:s9], $0xC000  }
.Ltmp1:
0x3c: {  	[sflag:s9] =	ssyncset.done $0x0;
	(pc) =	sbr.rel @p0 .LBB2_1-.Ltmp1, $4  }
0x3d: {  	[sflag:s9] =	ssyncadd.s32 $0xFFFF4000  }
0x3e: {  	[hbm4b:s14+s3] =	stream.linear.scatter [tilespmem:s7], [sflag:$0x3], $0xC000, $0x38;
	[tilespmem:$0x18480] =	vst v63  }
0x3f: {  	_ =	swait.ge [sflag:s4], $0xC000  }
0x40: {  	[sflag:s4] =	ssyncset.done $0x0  }
.LBB2_2:
0x41: {  	[sflag:s4] =	ssyncadd.s32 $0xFFFF4000  }
0x42: {  	_ =	sfence.sel $0x180000  }
0x43: {  	[bflag:$0x0] =	sbarrier.arrive $0xFFFF  }
0x44: {  	p0 =	sne.s32 s0, $0x0;
	_ =	strace $0x90000047  }
0x45: {  	s0 =	sadd.s32 @!p0 $0x100000, s1;
	[bflag:$0x2] =	sbarrier.arrive $0xFFFF  }
0x46: {  	[sflag:s0] =	ssyncadd.tile.s32 @!p0 $0x1;
	_ =	shalt  }
.Lfunc_end2:
_tile_overlayer_lowered:
.L_overlay_start_2:
0x47: {  	(tag) =	ssettag $0x2  }
0x48: {  	s0 =	rddreg [dreg:$0x0];
	s2 =	stileid.u32  }
0x49: {  	s1 =	rddreg [dreg:$0x1];
	p0 =	sne.s32 s2, $0x0  }
0x4a: {  	s3 =	rddreg [dreg:$0x2];
	[bflag:$0x3] =	sbarrier.arrive $0xFFFF;
	s2 =	simm.s32 @!p0 $0x1C03  }
0x4b: {  	[timem:s3], [sflag:s2] =	dma.local @!p0 [hbm:s0], s1  }
0x4c: {  	s0 =	simm.s32 @!p0 $0x3  }
0x4d: {  	_ =	swait.ge @!p0 [sflag:s0], s1  }
0x4e: {  	s1 =	ssub.s32 @!p0 $0x0, s1;
	[sflag:s0] =	ssyncset.done @!p0 $0x0  }
0x4f: {  	[sflag:s0] =	ssyncadd.s32 @!p0 s1  }
0x50: {  	[bflag:$0x3] =	sbarrier.arrive $0xFFFF  }
0x51: {  	_ =	shalt  }

</sc_bundles>
